<compile_context>
chip_gen: v7x
topology: tpu7x:2x2x1
jax: 0.10.2.dev20260603
libtpu: 0.0.44.dev20260713+nightly
codegen_flags: <defaults>
</compile_context>

<pallas_src>
import jax
import jax.numpy as jnp
from jax import lax
from jax.experimental import pallas as pl
from jax.experimental.pallas import tpu as pltpu
from jax.experimental.pallas import tpu_sc as plsc

_TEMP = 0.07
_NUM_HARD = 16
_TOPK = _NUM_HARD + 1

_SC_CORES = 2
_SC_SUBCORES = 16
_SC_WORKERS = _SC_CORES * _SC_SUBCORES
_GATHER_CHUNK = 128


def _gather_rows_sc(table, idx):
    K, C = table.shape
    N = idx.shape[0]
    b_per_w = N // _SC_WORKERS
    chunk = min(_GATHER_CHUNK, b_per_w)
    n_chunks = b_per_w // chunk
    mesh = plsc.VectorSubcoreMesh(core_axis_name="c", subcore_axis_name="s")

    def body(table_hbm, idx_hbm, out_hbm, idx_v, rows_v, sem):
        wid = lax.axis_index("s") * _SC_CORES + lax.axis_index("c")
        base = wid * b_per_w
        pltpu.sync_copy(idx_hbm.at[pl.ds(base, b_per_w)], idx_v)
        copies = []
        for j in range(n_chunks):
            copies.append(pltpu.async_copy(
                table_hbm.at[idx_v.at[pl.ds(j * chunk, chunk)]],
                rows_v.at[pl.ds(j * chunk, chunk), :],
                sem,
            ))
        for cp in copies:
            cp.wait()
        pltpu.sync_copy(rows_v, out_hbm.at[pl.ds(base, b_per_w)])

    return pl.kernel(
        body,
        out_type=jax.ShapeDtypeStruct((N, C), table.dtype),
        mesh=mesh,
        compiler_params=pltpu.CompilerParams(use_tc_tiling_on_sc=False),
        scratch_types=[
            pltpu.VMEM((b_per_w,), jnp.int32),
            pltpu.VMEM((b_per_w, C), jnp.float32),
            pltpu.SemaphoreType.DMA,
        ],
    )(table, idx)


def _topk_body(pos_ref, feat_ref, cbt_ref, hard_ref, pos_logit_ref, q_ref):
    K = cbt_ref.shape[1]
    pos = pos_ref[...]
    cbt = cbt_ref[...]
    a2 = jnp.sum(pos * pos, axis=1, keepdims=True)
    b2 = jnp.sum(cbt * cbt, axis=0, keepdims=True)
    dot = jnp.dot(pos, cbt, preferred_element_type=jnp.float32,
                  precision=lax.Precision.HIGHEST)
    s = jnp.maximum(a2 + b2 - 2.0 * dot, 0.0)
    iota = lax.broadcasted_iota(jnp.int32, s.shape, 1)
    keys = (lax.bitcast_convert_type(s, jnp.int32) & jnp.int32(~(K - 1))) | iota
    m = jnp.min(keys, axis=1, keepdims=True)
    c2 = m + jnp.int32(1) + jnp.int32(-2147483648)
    cols = []
    for _ in range(_NUM_HARD):
        mz = jnp.min(keys - c2, axis=1, keepdims=True)
        nxt = mz + c2
        cols.append(nxt & jnp.int32(K - 1))
        c2 = nxt + jnp.int32(1) + jnp.int32(-2147483648)
    hard_ref[...] = jnp.concatenate(cols, axis=1)
    feat = feat_ref[...]
    qn = jnp.sqrt(jnp.sum(feat * feat, axis=1, keepdims=True))
    q = feat / jnp.maximum(qn, 1e-12)
    kp = pos / jnp.maximum(jnp.sqrt(a2), 1e-12)
    q_ref[...] = q
    pos_logit_ref[...] = jnp.sum(q * kp, axis=1, keepdims=True) / _TEMP


def _loss_body(q_ref, pos_l_ref, neg_ref, out_ref):
    q = q_ref[...]
    neg = neg_ref[...]
    C = q.shape[1]
    M = neg.shape[1]
    cc = lax.broadcasted_iota(jnp.int32, (C, M), 0)
    mm = lax.broadcasted_iota(jnp.int32, (C, M), 1)
    J = (mm % C == cc).astype(jnp.float32)
    m1 = lax.broadcasted_iota(jnp.int32, (M, _NUM_HARD), 0)
    n1 = lax.broadcasted_iota(jnp.int32, (M, _NUM_HARD), 1)
    S = (m1 // C == n1).astype(jnp.float32)
    qt = jnp.dot(q, J, preferred_element_type=jnp.float32)
    dots = jnp.dot(neg * qt, S, preferred_element_type=jnp.float32)
    n2 = jnp.dot(neg * neg, S, preferred_element_type=jnp.float32)
    nl = dots / jnp.maximum(jnp.sqrt(n2), 1e-12) / _TEMP
    pos_l = pos_l_ref[...]
    logits = jnp.concatenate([pos_l, nl], axis=1)
    m = jnp.max(logits, axis=1, keepdims=True)
    lse = jnp.log(jnp.sum(jnp.exp(logits - m), axis=1, keepdims=True)) + m
    out_ref[...] = jnp.mean(lse - pos_l).reshape(1, 1)


def kernel(decoder_feat, codebook, positive_indices):
    B, L, C = decoder_feat.shape
    K = codebook.shape[0]
    BL = B * L
    feat = decoder_feat.reshape(BL, C)
    pos_flat = jnp.clip(positive_indices, 0, K - 1).reshape(BL).astype(jnp.int32)

    pos_emb = _gather_rows_sc(codebook, pos_flat)

    R = 256
    hard, pos_logit, q = pl.pallas_call(
        _topk_body,
        grid=(BL // R,),
        in_specs=[
            pl.BlockSpec((R, C), lambda i: (i, 0)),
            pl.BlockSpec((R, C), lambda i: (i, 0)),
            pl.BlockSpec((C, K), lambda i: (0, 0)),
        ],
        out_specs=[
            pl.BlockSpec((R, _NUM_HARD), lambda i: (i, 0)),
            pl.BlockSpec((R, 1), lambda i: (i, 0)),
            pl.BlockSpec((R, C), lambda i: (i, 0)),
        ],
        out_shape=[
            jax.ShapeDtypeStruct((BL, _NUM_HARD), jnp.int32),
            jax.ShapeDtypeStruct((BL, 1), jnp.float32),
            jax.ShapeDtypeStruct((BL, C), jnp.float32),
        ],
    )(pos_emb, feat, codebook.T)

    neg = _gather_rows_sc(codebook, hard.reshape(BL * _NUM_HARD))

    loss = pl.pallas_call(
        _loss_body,
        in_specs=[
            pl.BlockSpec((BL, C), lambda: (0, 0)),
            pl.BlockSpec((BL, 1), lambda: (0, 0)),
            pl.BlockSpec((BL, _NUM_HARD * C), lambda: (0, 0)),
        ],
        out_specs=pl.BlockSpec((1, 1), lambda: (0, 0)),
        out_shape=jax.ShapeDtypeStruct((1, 1), jnp.float32),
    )(q, pos_logit, neg.reshape(BL, _NUM_HARD * C))

    return loss[0, 0]

# --- scband reference (transcript-rebuilt; emitter-appended) ---
"""Pipeline reference for scband-h-dceloss-17068200035042 (READ-ONLY COPY).

The authoritative reference and input builder live on the scoring server;
editing this copy changes nothing except your own understanding.
"""

import jax, jax.numpy as jnp
import numpy as np

TEMPERATURE = 0.07
NUM_HARD = 16


def _l2norm(x, axis=-1, eps=1e-12):
    n = jnp.sqrt(jnp.sum(x * x, axis=axis, keepdims=True))
    return x / jnp.maximum(n, eps)


def setup_inputs(seed: int = 0) -> dict:
    key = jax.random.key(seed)
    k1, k2, k3 = jax.random.split(key, 3)
    B, L, C, K = 8, 512, 32, 8192
    decoder_feat = jax.random.normal(k1, (B, L, C), dtype=jnp.float32)
    codebook = jax.random.normal(k2, (K, C), dtype=jnp.float32)
    positive_indices = jax.random.randint(k3, (B, L), 0, K, dtype=jnp.int32)
    return {
        "decoder_feat": decoder_feat,
        "codebook": codebook,
        "positive_indices": positive_indices,
    }


def _get_hard_negatives(codebook, positive_idx, num_hard):
    K, C = codebook.shape
    B, L = positive_idx.shape
    pos_idx = jnp.clip(positive_idx, 0, K - 1)
    pos_emb = codebook[pos_idx].reshape(B * L, C)
    # torch.cdist (euclidean) via expansion: ||a||^2 + ||b||^2 - 2 a.b
    a2 = jnp.sum(pos_emb * pos_emb, axis=1, keepdims=True)        # (BL, 1)
    b2 = jnp.sum(codebook * codebook, axis=1)[None, :]            # (1, K)
    d2 = a2 + b2 - 2.0 * (pos_emb @ codebook.T)
    dist = jnp.sqrt(jnp.maximum(d2, 0.0))
    kk = min(num_hard + 1, K)
    # smallest distances -> top_k of negated distances
    _, topk_idx = jax.lax.top_k(-dist, kk)
    hard = topk_idx[:, 1:num_hard + 1]
    return hard.reshape(B, L, -1)


def reference(decoder_feat, codebook, positive_indices):
    B, L, C = decoder_feat.shape
    K = codebook.shape[0]
    pos_idx = jnp.clip(positive_indices, 0, K - 1)
    q = _l2norm(decoder_feat, axis=-1)
    k_pos = _l2norm(codebook[pos_idx], axis=-1)
    pos_logits = jnp.sum(q * k_pos, axis=-1) / TEMPERATURE          # (B, L)
    hard_idx = _get_hard_negatives(codebook, positive_indices, NUM_HARD)
    neg_embs = codebook[jnp.clip(hard_idx, 0, K - 1)]               # (B, L, n, C)
    neg_logits = jnp.einsum('blc,blnc->bln', q, _l2norm(neg_embs, axis=-1)) / TEMPERATURE
    logits = jnp.concatenate([pos_logits[..., None], neg_logits], axis=-1)  # (B, L, 1+n)
    flat = logits.reshape(-1, logits.shape[-1])
    # cross_entropy with label 0 for every row, mean reduction
    lse = jax.scipy.special.logsumexp(flat, axis=-1)
    loss = jnp.mean(lse - flat[:, 0])
    return loss

if __name__ == "__main__":
    import jax
    _d = setup_inputs()
    print(jax.jit(kernel)(*tuple(_d.values())))

</pallas_src>

<mosaic_0001>
#map = affine_map<(d0, d1) -> (0, 0)>
#map1 = affine_map<(d0, d1) -> (0)>
module attributes {stable_mosaic.version = 14 : i64} {
  func.func @body(%arg0: i32, %arg1: i32, %arg2: memref<8192x32xf32, #tpu.memory_space<hbm>>, %arg3: memref<65536xi32, #tpu.memory_space<hbm>>, %arg4: memref<65536x32xf32, #tpu.memory_space<hbm>>, %arg5: memref<2048xi32, #tpu.memory_space<vmem>>, %arg6: memref<2048x32xf32, #tpu.memory_space<vmem>>, %arg7: memref<!tpu.dma_semaphore, #tpu.memory_space<semaphore_mem>>) attributes {dimension_semantics = [#tpu.dimension_semantics<core_parallel>, #tpu.dimension_semantics<subcore_parallel>], iteration_bounds = array<i64: 2, 16>, scalar_prefetch = 0 : i64, scratch_operands = 3 : i64, tpu.core_type = #tpu.core_type<sc_vector_subcore>, window_params = [{transform_indices = #map}, {transform_indices = #map1}, {transform_indices = #map}]} {
    %mul3A = arith.constant 2 : i32
    %mul3A_0 = arith.muli %arg1, %mul3A : i32
    %add3A = arith.addi %mul3A_0, %arg0 : i32
    %mul3A_1 = arith.constant 2048 : i32
    %mul3A_2 = arith.muli %add3A, %mul3A_1 : i32
    "tpu.region"() ({
      %run_scoped3A = tpu.sem_alloc : memref<!tpu.dma_semaphore, #tpu.memory_space<semaphore_mem>>
      %dma_start3A_257 = tpu.memref_slice %arg3[%mul3A_2] : memref<65536xi32, #tpu.memory_space<hbm>> -> memref<2048xi32, #tpu.memory_space<hbm>>
      %dma_start3A_258 = tpu.memref_slice %arg3[%mul3A_2] : memref<65536xi32, #tpu.memory_space<hbm>> -> memref<2048xi32, #tpu.memory_space<hbm>>
      tpu.enqueue_dma source(%dma_start3A_258 : memref<2048xi32, #tpu.memory_space<hbm>>) target(%arg5 : memref<2048xi32, #tpu.memory_space<vmem>>) target_semaphore(%run_scoped3A : memref<!tpu.dma_semaphore, #tpu.memory_space<semaphore_mem>>)
      %dma_wait3A_259 = tpu.memref_slice %arg3[%mul3A_2] : memref<65536xi32, #tpu.memory_space<hbm>> -> memref<2048xi32, #tpu.memory_space<hbm>>
      %dma_wait3A_260 = tpu.memref_slice %arg3[%mul3A_2] : memref<65536xi32, #tpu.memory_space<hbm>> -> memref<2048xi32, #tpu.memory_space<hbm>>
      tpu.wait_dma2 semaphore(%run_scoped3A : memref<!tpu.dma_semaphore, #tpu.memory_space<semaphore_mem>>) src(%dma_wait3A_260 : memref<2048xi32, #tpu.memory_space<hbm>>) dst(%arg5 : memref<2048xi32, #tpu.memory_space<vmem>>)
      tpu.yield
    }) : () -> ()
    %dma_start3A = arith.constant 0 : i32
    %dma_start3A_3 = arith.constant 0 : i32
    %dma_start3A_4 = tpu.memref_slice %arg6[%dma_start3A, %dma_start3A_3] : memref<2048x32xf32, #tpu.memory_space<vmem>> -> memref<128x32xf32, #tpu.memory_space<vmem>>
    %dma_start3A_5 = arith.constant 0 : i32
    %dma_start3A_6 = tpu.memref_slice %arg5[%dma_start3A_5] : memref<2048xi32, #tpu.memory_space<vmem>> -> memref<128xi32, #tpu.memory_space<vmem>>
    %dma_start3A_7 = arith.constant 0 : i32
    %dma_start3A_8 = arith.constant 0 : i32
    %dma_start3A_9 = tpu.memref_slice %arg2[%dma_start3A_7, %dma_start3A_8] : memref<8192x32xf32, #tpu.memory_space<hbm>> -> memref<8192x32xf32, #tpu.memory_space<hbm>>
    tpu.enqueue_indirect_dma source(%dma_start3A_9 : memref<8192x32xf32, #tpu.memory_space<hbm>>) target(%dma_start3A_4 : memref<128x32xf32, #tpu.memory_space<vmem>>) offsets(%dma_start3A_6 : memref<128xi32, #tpu.memory_space<vmem>>) semaphore(%arg7 : memref<!tpu.dma_semaphore, #tpu.memory_space<semaphore_mem>>)
    %dma_start3A_10 = arith.constant 128 : i32
    %dma_start3A_11 = arith.constant 0 : i32
    %dma_start3A_12 = tpu.memref_slice %arg6[%dma_start3A_10, %dma_start3A_11] : memref<2048x32xf32, #tpu.memory_space<vmem>> -> memref<128x32xf32, #tpu.memory_space<vmem>>
    %dma_start3A_13 = arith.constant 128 : i32
    %dma_start3A_14 = tpu.memref_slice %arg5[%dma_start3A_13] : memref<2048xi32, #tpu.memory_space<vmem>> -> memref<128xi32, #tpu.memory_space<vmem>>
    %dma_start3A_15 = arith.constant 0 : i32
    %dma_start3A_16 = arith.constant 0 : i32
    %dma_start3A_17 = tpu.memref_slice %arg2[%dma_start3A_15, %dma_start3A_16] : memref<8192x32xf32, #tpu.memory_space<hbm>> -> memref<8192x32xf32, #tpu.memory_space<hbm>>
    tpu.enqueue_indirect_dma source(%dma_start3A_17 : memref<8192x32xf32, #tpu.memory_space<hbm>>) target(%dma_start3A_12 : memref<128x32xf32, #tpu.memory_space<vmem>>) offsets(%dma_start3A_14 : memref<128xi32, #tpu.memory_space<vmem>>) semaphore(%arg7 : memref<!tpu.dma_semaphore, #tpu.memory_space<semaphore_mem>>)
    %dma_start3A_18 = arith.constant 256 : i32
    %dma_start3A_19 = arith.constant 0 : i32
    %dma_start3A_20 = tpu.memref_slice %arg6[%dma_start3A_18, %dma_start3A_19] : memref<2048x32xf32, #tpu.memory_space<vmem>> -> memref<128x32xf32, #tpu.memory_space<vmem>>
    %dma_start3A_21 = arith.constant 256 : i32
    %dma_start3A_22 = tpu.memref_slice %arg5[%dma_start3A_21] : memref<2048xi32, #tpu.memory_space<vmem>> -> memref<128xi32, #tpu.memory_space<vmem>>
    %dma_start3A_23 = arith.constant 0 : i32
    %dma_start3A_24 = arith.constant 0 : i32
    %dma_start3A_25 = tpu.memref_slice %arg2[%dma_start3A_23, %dma_start3A_24] : memref<8192x32xf32, #tpu.memory_space<hbm>> -> memref<8192x32xf32, #tpu.memory_space<hbm>>
    tpu.enqueue_indirect_dma source(%dma_start3A_25 : memref<8192x32xf32, #tpu.memory_space<hbm>>) target(%dma_start3A_20 : memref<128x32xf32, #tpu.memory_space<vmem>>) offsets(%dma_start3A_22 : memref<128xi32, #tpu.memory_space<vmem>>) semaphore(%arg7 : memref<!tpu.dma_semaphore, #tpu.memory_space<semaphore_mem>>)
    %dma_start3A_26 = arith.constant 384 : i32
    %dma_start3A_27 = arith.constant 0 : i32
    %dma_start3A_28 = tpu.memref_slice %arg6[%dma_start3A_26, %dma_start3A_27] : memref<2048x32xf32, #tpu.memory_space<vmem>> -> memref<128x32xf32, #tpu.memory_space<vmem>>
    %dma_start3A_29 = arith.constant 384 : i32
    %dma_start3A_30 = tpu.memref_slice %arg5[%dma_start3A_29] : memref<2048xi32, #tpu.memory_space<vmem>> -> memref<128xi32, #tpu.memory_space<vmem>>
    %dma_start3A_31 = arith.constant 0 : i32
    %dma_start3A_32 = arith.constant 0 : i32
    %dma_start3A_33 = tpu.memref_slice %arg2[%dma_start3A_31, %dma_start3A_32] : memref<8192x32xf32, #tpu.memory_space<hbm>> -> memref<8192x32xf32, #tpu.memory_space<hbm>>
    tpu.enqueue_indirect_dma source(%dma_start3A_33 : memref<8192x32xf32, #tpu.memory_space<hbm>>) target(%dma_start3A_28 : memref<128x32xf32, #tpu.memory_space<vmem>>) offsets(%dma_start3A_30 : memref<128xi32, #tpu.memory_space<vmem>>) semaphore(%arg7 : memref<!tpu.dma_semaphore, #tpu.memory_space<semaphore_mem>>)
    %dma_start3A_34 = arith.constant 512 : i32
    %dma_start3A_35 = arith.constant 0 : i32
    %dma_start3A_36 = tpu.memref_slice %arg6[%dma_start3A_34, %dma_start3A_35] : memref<2048x32xf32, #tpu.memory_space<vmem>> -> memref<128x32xf32, #tpu.memory_space<vmem>>
    %dma_start3A_37 = arith.constant 512 : i32
    %dma_start3A_38 = tpu.memref_slice %arg5[%dma_start3A_37] : memref<2048xi32, #tpu.memory_space<vmem>> -> memref<128xi32, #tpu.memory_space<vmem>>
    %dma_start3A_39 = arith.constant 0 : i32
    %dma_start3A_40 = arith.constant 0 : i32
    %dma_start3A_41 = tpu.memref_slice %arg2[%dma_start3A_39, %dma_start3A_40] : memref<8192x32xf32, #tpu.memory_space<hbm>> -> memref<8192x32xf32, #tpu.memory_space<hbm>>
    tpu.enqueue_indirect_dma source(%dma_start3A_41 : memref<8192x32xf32, #tpu.memory_space<hbm>>) target(%dma_start3A_36 : memref<128x32xf32, #tpu.memory_space<vmem>>) offsets(%dma_start3A_38 : memref<128xi32, #tpu.memory_space<vmem>>) semaphore(%arg7 : memref<!tpu.dma_semaphore, #tpu.memory_space<semaphore_mem>>)
    %dma_start3A_42 = arith.constant 640 : i32
    %dma_start3A_43 = arith.constant 0 : i32
    %dma_start3A_44 = tpu.memref_slice %arg6[%dma_start3A_42, %dma_start3A_43] : memref<2048x32xf32, #tpu.memory_space<vmem>> -> memref<128x32xf32, #tpu.memory_space<vmem>>
    %dma_start3A_45 = arith.constant 640 : i32
    %dma_start3A_46 = tpu.memref_slice %arg5[%dma_start3A_45] : memref<2048xi32, #tpu.memory_space<vmem>> -> memref<128xi32, #tpu.memory_space<vmem>>
    %dma_start3A_47 = arith.constant 0 : i32
    %dma_start3A_48 = arith.constant 0 : i32
    %dma_start3A_49 = tpu.memref_slice %arg2[%dma_start3A_47, %dma_start3A_48] : memref<8192x32xf32, #tpu.memory_space<hbm>> -> memref<8192x32xf32, #tpu.memory_space<hbm>>
    tpu.enqueue_indirect_dma source(%dma_start3A_49 : memref<8192x32xf32, #tpu.memory_space<hbm>>) target(%dma_start3A_44 : memref<128x32xf32, #tpu.memory_space<vmem>>) offsets(%dma_start3A_46 : memref<128xi32, #tpu.memory_space<vmem>>) semaphore(%arg7 : memref<!tpu.dma_semaphore, #tpu.memory_space<semaphore_mem>>)
    %dma_start3A_50 = arith.constant 768 : i32
    %dma_start3A_51 = arith.constant 0 : i32
    %dma_start3A_52 = tpu.memref_slice %arg6[%dma_start3A_50, %dma_start3A_51] : memref<2048x32xf32, #tpu.memory_space<vmem>> -> memref<128x32xf32, #tpu.memory_space<vmem>>
    %dma_start3A_53 = arith.constant 768 : i32
    %dma_start3A_54 = tpu.memref_slice %arg5[%dma_start3A_53] : memref<2048xi32, #tpu.memory_space<vmem>> -> memref<128xi32, #tpu.memory_space<vmem>>
    %dma_start3A_55 = arith.constant 0 : i32
    %dma_start3A_56 = arith.constant 0 : i32
    %dma_start3A_57 = tpu.memref_slice %arg2[%dma_start3A_55, %dma_start3A_56] : memref<8192x32xf32, #tpu.memory_space<hbm>> -> memref<8192x32xf32, #tpu.memory_space<hbm>>
    tpu.enqueue_indirect_dma source(%dma_start3A_57 : memref<8192x32xf32, #tpu.memory_space<hbm>>) target(%dma_start3A_52 : memref<128x32xf32, #tpu.memory_space<vmem>>) offsets(%dma_start3A_54 : memref<128xi32, #tpu.memory_space<vmem>>) semaphore(%arg7 : memref<!tpu.dma_semaphore, #tpu.memory_space<semaphore_mem>>)
    %dma_start3A_58 = arith.constant 896 : i32
    %dma_start3A_59 = arith.constant 0 : i32
    %dma_start3A_60 = tpu.memref_slice %arg6[%dma_start3A_58, %dma_start3A_59] : memref<2048x32xf32, #tpu.memory_space<vmem>> -> memref<128x32xf32, #tpu.memory_space<vmem>>
    %dma_start3A_61 = arith.constant 896 : i32
    %dma_start3A_62 = tpu.memref_slice %arg5[%dma_start3A_61] : memref<2048xi32, #tpu.memory_space<vmem>> -> memref<128xi32, #tpu.memory_space<vmem>>
    %dma_start3A_63 = arith.constant 0 : i32
    %dma_start3A_64 = arith.constant 0 : i32
    %dma_start3A_65 = tpu.memref_slice %arg2[%dma_start3A_63, %dma_start3A_64] : memref<8192x32xf32, #tpu.memory_space<hbm>> -> memref<8192x32xf32, #tpu.memory_space<hbm>>
    tpu.enqueue_indirect_dma source(%dma_start3A_65 : memref<8192x32xf32, #tpu.memory_space<hbm>>) target(%dma_start3A_60 : memref<128x32xf32, #tpu.memory_space<vmem>>) offsets(%dma_start3A_62 : memref<128xi32, #tpu.memory_space<vmem>>) semaphore(%arg7 : memref<!tpu.dma_semaphore, #tpu.memory_space<semaphore_mem>>)
    %dma_start3A_66 = arith.constant 1024 : i32
    %dma_start3A_67 = arith.constant 0 : i32
    %dma_start3A_68 = tpu.memref_slice %arg6[%dma_start3A_66, %dma_start3A_67] : memref<2048x32xf32, #tpu.memory_space<vmem>> -> memref<128x32xf32, #tpu.memory_space<vmem>>
    %dma_start3A_69 = arith.constant 1024 : i32
    %dma_start3A_70 = tpu.memref_slice %arg5[%dma_start3A_69] : memref<2048xi32, #tpu.memory_space<vmem>> -> memref<128xi32, #tpu.memory_space<vmem>>
    %dma_start3A_71 = arith.constant 0 : i32
    %dma_start3A_72 = arith.constant 0 : i32
    %dma_start3A_73 = tpu.memref_slice %arg2[%dma_start3A_71, %dma_start3A_72] : memref<8192x32xf32, #tpu.memory_space<hbm>> -> memref<8192x32xf32, #tpu.memory_space<hbm>>
    tpu.enqueue_indirect_dma source(%dma_start3A_73 : memref<8192x32xf32, #tpu.memory_space<hbm>>) target(%dma_start3A_68 : memref<128x32xf32, #tpu.memory_space<vmem>>) offsets(%dma_start3A_70 : memref<128xi32, #tpu.memory_space<vmem>>) semaphore(%arg7 : memref<!tpu.dma_semaphore, #tpu.memory_space<semaphore_mem>>)
    %dma_start3A_74 = arith.constant 1152 : i32
    %dma_start3A_75 = arith.constant 0 : i32
    %dma_start3A_76 = tpu.memref_slice %arg6[%dma_start3A_74, %dma_start3A_75] : memref<2048x32xf32, #tpu.memory_space<vmem>> -> memref<128x32xf32, #tpu.memory_space<vmem>>
    %dma_start3A_77 = arith.constant 1152 : i32
    %dma_start3A_78 = tpu.memref_slice %arg5[%dma_start3A_77] : memref<2048xi32, #tpu.memory_space<vmem>> -> memref<128xi32, #tpu.memory_space<vmem>>
    %dma_start3A_79 = arith.constant 0 : i32
    %dma_start3A_80 = arith.constant 0 : i32
    %dma_start3A_81 = tpu.memref_slice %arg2[%dma_start3A_79, %dma_start3A_80] : memref<8192x32xf32, #tpu.memory_space<hbm>> -> memref<8192x32xf32, #tpu.memory_space<hbm>>
    tpu.enqueue_indirect_dma source(%dma_start3A_81 : memref<8192x32xf32, #tpu.memory_space<hbm>>) target(%dma_start3A_76 : memref<128x32xf32, #tpu.memory_space<vmem>>) offsets(%dma_start3A_78 : memref<128xi32, #tpu.memory_space<vmem>>) semaphore(%arg7 : memref<!tpu.dma_semaphore, #tpu.memory_space<semaphore_mem>>)
    %dma_start3A_82 = arith.constant 1280 : i32
    %dma_start3A_83 = arith.constant 0 : i32
    %dma_start3A_84 = tpu.memref_slice %arg6[%dma_start3A_82, %dma_start3A_83] : memref<2048x32xf32, #tpu.memory_space<vmem>> -> memref<128x32xf32, #tpu.memory_space<vmem>>
    %dma_start3A_85 = arith.constant 1280 : i32
    %dma_start3A_86 = tpu.memref_slice %arg5[%dma_start3A_85] : memref<2048xi32, #tpu.memory_space<vmem>> -> memref<128xi32, #tpu.memory_space<vmem>>
    %dma_start3A_87 = arith.constant 0 : i32
    %dma_start3A_88 = arith.constant 0 : i32
    %dma_start3A_89 = tpu.memref_slice %arg2[%dma_start3A_87, %dma_start3A_88] : memref<8192x32xf32, #tpu.memory_space<hbm>> -> memref<8192x32xf32, #tpu.memory_space<hbm>>
    tpu.enqueue_indirect_dma source(%dma_start3A_89 : memref<8192x32xf32, #tpu.memory_space<hbm>>) target(%dma_start3A_84 : memref<128x32xf32, #tpu.memory_space<vmem>>) offsets(%dma_start3A_86 : memref<128xi32, #tpu.memory_space<vmem>>) semaphore(%arg7 : memref<!tpu.dma_semaphore, #tpu.memory_space<semaphore_mem>>)
    %dma_start3A_90 = arith.constant 1408 : i32
    %dma_start3A_91 = arith.constant 0 : i32
    %dma_start3A_92 = tpu.memref_slice %arg6[%dma_start3A_90, %dma_start3A_91] : memref<2048x32xf32, #tpu.memory_space<vmem>> -> memref<128x32xf32, #tpu.memory_space<vmem>>
    %dma_start3A_93 = arith.constant 1408 : i32
    %dma_start3A_94 = tpu.memref_slice %arg5[%dma_start3A_93] : memref<2048xi32, #tpu.memory_space<vmem>> -> memref<128xi32, #tpu.memory_space<vmem>>
    %dma_start3A_95 = arith.constant 0 : i32
    %dma_start3A_96 = arith.constant 0 : i32
    %dma_start3A_97 = tpu.memref_slice %arg2[%dma_start3A_95, %dma_start3A_96] : memref<8192x32xf32, #tpu.memory_space<hbm>> -> memref<8192x32xf32, #tpu.memory_space<hbm>>
    tpu.enqueue_indirect_dma source(%dma_start3A_97 : memref<8192x32xf32, #tpu.memory_space<hbm>>) target(%dma_start3A_92 : memref<128x32xf32, #tpu.memory_space<vmem>>) offsets(%dma_start3A_94 : memref<128xi32, #tpu.memory_space<vmem>>) semaphore(%arg7 : memref<!tpu.dma_semaphore, #tpu.memory_space<semaphore_mem>>)
    %dma_start3A_98 = arith.constant 1536 : i32
    %dma_start3A_99 = arith.constant 0 : i32
    %dma_start3A_100 = tpu.memref_slice %arg6[%dma_start3A_98, %dma_start3A_99] : memref<2048x32xf32, #tpu.memory_space<vmem>> -> memref<128x32xf32, #tpu.memory_space<vmem>>
    %dma_start3A_101 = arith.constant 1536 : i32
    %dma_start3A_102 = tpu.memref_slice %arg5[%dma_start3A_101] : memref<2048xi32, #tpu.memory_space<vmem>> -> memref<128xi32, #tpu.memory_space<vmem>>
    %dma_start3A_103 = arith.constant 0 : i32
    %dma_start3A_104 = arith.constant 0 : i32
    %dma_start3A_105 = tpu.memref_slice %arg2[%dma_start3A_103, %dma_start3A_104] : memref<8192x32xf32, #tpu.memory_space<hbm>> -> memref<8192x32xf32, #tpu.memory_space<hbm>>
    tpu.enqueue_indirect_dma source(%dma_start3A_105 : memref<8192x32xf32, #tpu.memory_space<hbm>>) target(%dma_start3A_100 : memref<128x32xf32, #tpu.memory_space<vmem>>) offsets(%dma_start3A_102 : memref<128xi32, #tpu.memory_space<vmem>>) semaphore(%arg7 : memref<!tpu.dma_semaphore, #tpu.memory_space<semaphore_mem>>)
    %dma_start3A_106 = arith.constant 1664 : i32
    %dma_start3A_107 = arith.constant 0 : i32
    %dma_start3A_108 = tpu.memref_slice %arg6[%dma_start3A_106, %dma_start3A_107] : memref<2048x32xf32, #tpu.memory_space<vmem>> -> memref<128x32xf32, #tpu.memory_space<vmem>>
    %dma_start3A_109 = arith.constant 1664 : i32
    %dma_start3A_110 = tpu.memref_slice %arg5[%dma_start3A_109] : memref<2048xi32, #tpu.memory_space<vmem>> -> memref<128xi32, #tpu.memory_space<vmem>>
    %dma_start3A_111 = arith.constant 0 : i32
    %dma_start3A_112 = arith.constant 0 : i32
    %dma_start3A_113 = tpu.memref_slice %arg2[%dma_start3A_111, %dma_start3A_112] : memref<8192x32xf32, #tpu.memory_space<hbm>> -> memref<8192x32xf32, #tpu.memory_space<hbm>>
    tpu.enqueue_indirect_dma source(%dma_start3A_113 : memref<8192x32xf32, #tpu.memory_space<hbm>>) target(%dma_start3A_108 : memref<128x32xf32, #tpu.memory_space<vmem>>) offsets(%dma_start3A_110 : memref<128xi32, #tpu.memory_space<vmem>>) semaphore(%arg7 : memref<!tpu.dma_semaphore, #tpu.memory_space<semaphore_mem>>)
    %dma_start3A_114 = arith.constant 1792 : i32
    %dma_start3A_115 = arith.constant 0 : i32
    %dma_start3A_116 = tpu.memref_slice %arg6[%dma_start3A_114, %dma_start3A_115] : memref<2048x32xf32, #tpu.memory_space<vmem>> -> memref<128x32xf32, #tpu.memory_space<vmem>>
    %dma_start3A_117 = arith.constant 1792 : i32
    %dma_start3A_118 = tpu.memref_slice %arg5[%dma_start3A_117] : memref<2048xi32, #tpu.memory_space<vmem>> -> memref<128xi32, #tpu.memory_space<vmem>>
    %dma_start3A_119 = arith.constant 0 : i32
    %dma_start3A_120 = arith.constant 0 : i32
    %dma_start3A_121 = tpu.memref_slice %arg2[%dma_start3A_119, %dma_start3A_120] : memref<8192x32xf32, #tpu.memory_space<hbm>> -> memref<8192x32xf32, #tpu.memory_space<hbm>>
    tpu.enqueue_indirect_dma source(%dma_start3A_121 : memref<8192x32xf32, #tpu.memory_space<hbm>>) target(%dma_start3A_116 : memref<128x32xf32, #tpu.memory_space<vmem>>) offsets(%dma_start3A_118 : memref<128xi32, #tpu.memory_space<vmem>>) semaphore(%arg7 : memref<!tpu.dma_semaphore, #tpu.memory_space<semaphore_mem>>)
    %dma_start3A_122 = arith.constant 1920 : i32
    %dma_start3A_123 = arith.constant 0 : i32
    %dma_start3A_124 = tpu.memref_slice %arg6[%dma_start3A_122, %dma_start3A_123] : memref<2048x32xf32, #tpu.memory_space<vmem>> -> memref<128x32xf32, #tpu.memory_space<vmem>>
    %dma_start3A_125 = arith.constant 1920 : i32
    %dma_start3A_126 = tpu.memref_slice %arg5[%dma_start3A_125] : memref<2048xi32, #tpu.memory_space<vmem>> -> memref<128xi32, #tpu.memory_space<vmem>>
    %dma_start3A_127 = arith.constant 0 : i32
    %dma_start3A_128 = arith.constant 0 : i32
    %dma_start3A_129 = tpu.memref_slice %arg2[%dma_start3A_127, %dma_start3A_128] : memref<8192x32xf32, #tpu.memory_space<hbm>> -> memref<8192x32xf32, #tpu.memory_space<hbm>>
    tpu.enqueue_indirect_dma source(%dma_start3A_129 : memref<8192x32xf32, #tpu.memory_space<hbm>>) target(%dma_start3A_124 : memref<128x32xf32, #tpu.memory_space<vmem>>) offsets(%dma_start3A_126 : memref<128xi32, #tpu.memory_space<vmem>>) semaphore(%arg7 : memref<!tpu.dma_semaphore, #tpu.memory_space<semaphore_mem>>)
    %dma_wait3A = arith.constant 0 : i32
    %dma_wait3A_130 = arith.constant 0 : i32
    %dma_wait3A_131 = tpu.memref_slice %arg6[%dma_wait3A, %dma_wait3A_130] : memref<2048x32xf32, #tpu.memory_space<vmem>> -> memref<128x32xf32, #tpu.memory_space<vmem>>
    %dma_wait3A_132 = arith.constant 0 : i32
    %dma_wait3A_133 = tpu.memref_slice %arg5[%dma_wait3A_132] : memref<2048xi32, #tpu.memory_space<vmem>> -> memref<128xi32, #tpu.memory_space<vmem>>
    %dma_wait3A_134 = arith.constant 0 : i32
    %dma_wait3A_135 = arith.constant 0 : i32
    %dma_wait3A_136 = tpu.memref_slice %arg2[%dma_wait3A_134, %dma_wait3A_135] : memref<8192x32xf32, #tpu.memory_space<hbm>> -> memref<8192x32xf32, #tpu.memory_space<hbm>>
    tpu.wait_indirect_dma semaphore(%arg7 : memref<!tpu.dma_semaphore, #tpu.memory_space<semaphore_mem>>) src(%dma_wait3A_136 : memref<8192x32xf32, #tpu.memory_space<hbm>>) dst(%dma_wait3A_131 : memref<128x32xf32, #tpu.memory_space<vmem>>)
    %dma_wait3A_137 = arith.constant 128 : i32
    %dma_wait3A_138 = arith.constant 0 : i32
    %dma_wait3A_139 = tpu.memref_slice %arg6[%dma_wait3A_137, %dma_wait3A_138] : memref<2048x32xf32, #tpu.memory_space<vmem>> -> memref<128x32xf32, #tpu.memory_space<vmem>>
    %dma_wait3A_140 = arith.constant 128 : i32
    %dma_wait3A_141 = tpu.memref_slice %arg5[%dma_wait3A_140] : memref<2048xi32, #tpu.memory_space<vmem>> -> memref<128xi32, #tpu.memory_space<vmem>>
    %dma_wait3A_142 = arith.constant 0 : i32
    %dma_wait3A_143 = arith.constant 0 : i32
    %dma_wait3A_144 = tpu.memref_slice %arg2[%dma_wait3A_142, %dma_wait3A_143] : memref<8192x32xf32, #tpu.memory_space<hbm>> -> memref<8192x32xf32, #tpu.memory_space<hbm>>
    tpu.wait_indirect_dma semaphore(%arg7 : memref<!tpu.dma_semaphore, #tpu.memory_space<semaphore_mem>>) src(%dma_wait3A_144 : memref<8192x32xf32, #tpu.memory_space<hbm>>) dst(%dma_wait3A_139 : memref<128x32xf32, #tpu.memory_space<vmem>>)
    %dma_wait3A_145 = arith.constant 256 : i32
    %dma_wait3A_146 = arith.constant 0 : i32
    %dma_wait3A_147 = tpu.memref_slice %arg6[%dma_wait3A_145, %dma_wait3A_146] : memref<2048x32xf32, #tpu.memory_space<vmem>> -> memref<128x32xf32, #tpu.memory_space<vmem>>
    %dma_wait3A_148 = arith.constant 256 : i32
    %dma_wait3A_149 = tpu.memref_slice %arg5[%dma_wait3A_148] : memref<2048xi32, #tpu.memory_space<vmem>> -> memref<128xi32, #tpu.memory_space<vmem>>
    %dma_wait3A_150 = arith.constant 0 : i32
    %dma_wait3A_151 = arith.constant 0 : i32
    %dma_wait3A_152 = tpu.memref_slice %arg2[%dma_wait3A_150, %dma_wait3A_151] : memref<8192x32xf32, #tpu.memory_space<hbm>> -> memref<8192x32xf32, #tpu.memory_space<hbm>>
    tpu.wait_indirect_dma semaphore(%arg7 : memref<!tpu.dma_semaphore, #tpu.memory_space<semaphore_mem>>) src(%dma_wait3A_152 : memref<8192x32xf32, #tpu.memory_space<hbm>>) dst(%dma_wait3A_147 : memref<128x32xf32, #tpu.memory_space<vmem>>)
    %dma_wait3A_153 = arith.constant 384 : i32
    %dma_wait3A_154 = arith.constant 0 : i32
    %dma_wait3A_155 = tpu.memref_slice %arg6[%dma_wait3A_153, %dma_wait3A_154] : memref<2048x32xf32, #tpu.memory_space<vmem>> -> memref<128x32xf32, #tpu.memory_space<vmem>>
    %dma_wait3A_156 = arith.constant 384 : i32
    %dma_wait3A_157 = tpu.memref_slice %arg5[%dma_wait3A_156] : memref<2048xi32, #tpu.memory_space<vmem>> -> memref<128xi32, #tpu.memory_space<vmem>>
    %dma_wait3A_158 = arith.constant 0 : i32
    %dma_wait3A_159 = arith.constant 0 : i32
    %dma_wait3A_160 = tpu.memref_slice %arg2[%dma_wait3A_158, %dma_wait3A_159] : memref<8192x32xf32, #tpu.memory_space<hbm>> -> memref<8192x32xf32, #tpu.memory_space<hbm>>
    tpu.wait_indirect_dma semaphore(%arg7 : memref<!tpu.dma_semaphore, #tpu.memory_space<semaphore_mem>>) src(%dma_wait3A_160 : memref<8192x32xf32, #tpu.memory_space<hbm>>) dst(%dma_wait3A_155 : memref<128x32xf32, #tpu.memory_space<vmem>>)
    %dma_wait3A_161 = arith.constant 512 : i32
    %dma_wait3A_162 = arith.constant 0 : i32
    %dma_wait3A_163 = tpu.memref_slice %arg6[%dma_wait3A_161, %dma_wait3A_162] : memref<2048x32xf32, #tpu.memory_space<vmem>> -> memref<128x32xf32, #tpu.memory_space<vmem>>
    %dma_wait3A_164 = arith.constant 512 : i32
    %dma_wait3A_165 = tpu.memref_slice %arg5[%dma_wait3A_164] : memref<2048xi32, #tpu.memory_space<vmem>> -> memref<128xi32, #tpu.memory_space<vmem>>
    %dma_wait3A_166 = arith.constant 0 : i32
    %dma_wait3A_167 = arith.constant 0 : i32
    %dma_wait3A_168 = tpu.memref_slice %arg2[%dma_wait3A_166, %dma_wait3A_167] : memref<8192x32xf32, #tpu.memory_space<hbm>> -> memref<8192x32xf32, #tpu.memory_space<hbm>>
    tpu.wait_indirect_dma semaphore(%arg7 : memref<!tpu.dma_semaphore, #tpu.memory_space<semaphore_mem>>) src(%dma_wait3A_168 : memref<8192x32xf32, #tpu.memory_space<hbm>>) dst(%dma_wait3A_163 : memref<128x32xf32, #tpu.memory_space<vmem>>)
    %dma_wait3A_169 = arith.constant 640 : i32
    %dma_wait3A_170 = arith.constant 0 : i32
    %dma_wait3A_171 = tpu.memref_slice %arg6[%dma_wait3A_169, %dma_wait3A_170] : memref<2048x32xf32, #tpu.memory_space<vmem>> -> memref<128x32xf32, #tpu.memory_space<vmem>>
    %dma_wait3A_172 = arith.constant 640 : i32
    %dma_wait3A_173 = tpu.memref_slice %arg5[%dma_wait3A_172] : memref<2048xi32, #tpu.memory_space<vmem>> -> memref<128xi32, #tpu.memory_space<vmem>>
    %dma_wait3A_174 = arith.constant 0 : i32
    %dma_wait3A_175 = arith.constant 0 : i32
    %dma_wait3A_176 = tpu.memref_slice %arg2[%dma_wait3A_174, %dma_wait3A_175] : memref<8192x32xf32, #tpu.memory_space<hbm>> -> memref<8192x32xf32, #tpu.memory_space<hbm>>
    tpu.wait_indirect_dma semaphore(%arg7 : memref<!tpu.dma_semaphore, #tpu.memory_space<semaphore_mem>>) src(%dma_wait3A_176 : memref<8192x32xf32, #tpu.memory_space<hbm>>) dst(%dma_wait3A_171 : memref<128x32xf32, #tpu.memory_space<vmem>>)
    %dma_wait3A_177 = arith.constant 768 : i32
    %dma_wait3A_178 = arith.constant 0 : i32
    %dma_wait3A_179 = tpu.memref_slice %arg6[%dma_wait3A_177, %dma_wait3A_178] : memref<2048x32xf32, #tpu.memory_space<vmem>> -> memref<128x32xf32, #tpu.memory_space<vmem>>
    %dma_wait3A_180 = arith.constant 768 : i32
    %dma_wait3A_181 = tpu.memref_slice %arg5[%dma_wait3A_180] : memref<2048xi32, #tpu.memory_space<vmem>> -> memref<128xi32, #tpu.memory_space<vmem>>
    %dma_wait3A_182 = arith.constant 0 : i32
    %dma_wait3A_183 = arith.constant 0 : i32
    %dma_wait3A_184 = tpu.memref_slice %arg2[%dma_wait3A_182, %dma_wait3A_183] : memref<8192x32xf32, #tpu.memory_space<hbm>> -> memref<8192x32xf32, #tpu.memory_space<hbm>>
    tpu.wait_indirect_dma semaphore(%arg7 : memref<!tpu.dma_semaphore, #tpu.memory_space<semaphore_mem>>) src(%dma_wait3A_184 : memref<8192x32xf32, #tpu.memory_space<hbm>>) dst(%dma_wait3A_179 : memref<128x32xf32, #tpu.memory_space<vmem>>)
    %dma_wait3A_185 = arith.constant 896 : i32
    %dma_wait3A_186 = arith.constant 0 : i32
    %dma_wait3A_187 = tpu.memref_slice %arg6[%dma_wait3A_185, %dma_wait3A_186] : memref<2048x32xf32, #tpu.memory_space<vmem>> -> memref<128x32xf32, #tpu.memory_space<vmem>>
    %dma_wait3A_188 = arith.constant 896 : i32
    %dma_wait3A_189 = tpu.memref_slice %arg5[%dma_wait3A_188] : memref<2048xi32, #tpu.memory_space<vmem>> -> memref<128xi32, #tpu.memory_space<vmem>>
    %dma_wait3A_190 = arith.constant 0 : i32
    %dma_wait3A_191 = arith.constant 0 : i32
    %dma_wait3A_192 = tpu.memref_slice %arg2[%dma_wait3A_190, %dma_wait3A_191] : memref<8192x32xf32, #tpu.memory_space<hbm>> -> memref<8192x32xf32, #tpu.memory_space<hbm>>
    tpu.wait_indirect_dma semaphore(%arg7 : memref<!tpu.dma_semaphore, #tpu.memory_space<semaphore_mem>>) src(%dma_wait3A_192 : memref<8192x32xf32, #tpu.memory_space<hbm>>) dst(%dma_wait3A_187 : memref<128x32xf32, #tpu.memory_space<vmem>>)
    %dma_wait3A_193 = arith.constant 1024 : i32
    %dma_wait3A_194 = arith.constant 0 : i32
    %dma_wait3A_195 = tpu.memref_slice %arg6[%dma_wait3A_193, %dma_wait3A_194] : memref<2048x32xf32, #tpu.memory_space<vmem>> -> memref<128x32xf32, #tpu.memory_space<vmem>>
    %dma_wait3A_196 = arith.constant 1024 : i32
    %dma_wait3A_197 = tpu.memref_slice %arg5[%dma_wait3A_196] : memref<2048xi32, #tpu.memory_space<vmem>> -> memref<128xi32, #tpu.memory_space<vmem>>
    %dma_wait3A_198 = arith.constant 0 : i32
    %dma_wait3A_199 = arith.constant 0 : i32
    %dma_wait3A_200 = tpu.memref_slice %arg2[%dma_wait3A_198, %dma_wait3A_199] : memref<8192x32xf32, #tpu.memory_space<hbm>> -> memref<8192x32xf32, #tpu.memory_space<hbm>>
    tpu.wait_indirect_dma semaphore(%arg7 : memref<!tpu.dma_semaphore, #tpu.memory_space<semaphore_mem>>) src(%dma_wait3A_200 : memref<8192x32xf32, #tpu.memory_space<hbm>>) dst(%dma_wait3A_195 : memref<128x32xf32, #tpu.memory_space<vmem>>)
    %dma_wait3A_201 = arith.constant 1152 : i32
    %dma_wait3A_202 = arith.constant 0 : i32
    %dma_wait3A_203 = tpu.memref_slice %arg6[%dma_wait3A_201, %dma_wait3A_202] : memref<2048x32xf32, #tpu.memory_space<vmem>> -> memref<128x32xf32, #tpu.memory_space<vmem>>
    %dma_wait3A_204 = arith.constant 1152 : i32
    %dma_wait3A_205 = tpu.memref_slice %arg5[%dma_wait3A_204] : memref<2048xi32, #tpu.memory_space<vmem>> -> memref<128xi32, #tpu.memory_space<vmem>>
    %dma_wait3A_206 = arith.constant 0 : i32
    %dma_wait3A_207 = arith.constant 0 : i32
    %dma_wait3A_208 = tpu.memref_slice %arg2[%dma_wait3A_206, %dma_wait3A_207] : memref<8192x32xf32, #tpu.memory_space<hbm>> -> memref<8192x32xf32, #tpu.memory_space<hbm>>
    tpu.wait_indirect_dma semaphore(%arg7 : memref<!tpu.dma_semaphore, #tpu.memory_space<semaphore_mem>>) src(%dma_wait3A_208 : memref<8192x32xf32, #tpu.memory_space<hbm>>) dst(%dma_wait3A_203 : memref<128x32xf32, #tpu.memory_space<vmem>>)
    %dma_wait3A_209 = arith.constant 1280 : i32
    %dma_wait3A_210 = arith.constant 0 : i32
    %dma_wait3A_211 = tpu.memref_slice %arg6[%dma_wait3A_209, %dma_wait3A_210] : memref<2048x32xf32, #tpu.memory_space<vmem>> -> memref<128x32xf32, #tpu.memory_space<vmem>>
    %dma_wait3A_212 = arith.constant 1280 : i32
    %dma_wait3A_213 = tpu.memref_slice %arg5[%dma_wait3A_212] : memref<2048xi32, #tpu.memory_space<vmem>> -> memref<128xi32, #tpu.memory_space<vmem>>
    %dma_wait3A_214 = arith.constant 0 : i32
    %dma_wait3A_215 = arith.constant 0 : i32
    %dma_wait3A_216 = tpu.memref_slice %arg2[%dma_wait3A_214, %dma_wait3A_215] : memref<8192x32xf32, #tpu.memory_space<hbm>> -> memref<8192x32xf32, #tpu.memory_space<hbm>>
    tpu.wait_indirect_dma semaphore(%arg7 : memref<!tpu.dma_semaphore, #tpu.memory_space<semaphore_mem>>) src(%dma_wait3A_216 : memref<8192x32xf32, #tpu.memory_space<hbm>>) dst(%dma_wait3A_211 : memref<128x32xf32, #tpu.memory_space<vmem>>)
    %dma_wait3A_217 = arith.constant 1408 : i32
    %dma_wait3A_218 = arith.constant 0 : i32
    %dma_wait3A_219 = tpu.memref_slice %arg6[%dma_wait3A_217, %dma_wait3A_218] : memref<2048x32xf32, #tpu.memory_space<vmem>> -> memref<128x32xf32, #tpu.memory_space<vmem>>
    %dma_wait3A_220 = arith.constant 1408 : i32
    %dma_wait3A_221 = tpu.memref_slice %arg5[%dma_wait3A_220] : memref<2048xi32, #tpu.memory_space<vmem>> -> memref<128xi32, #tpu.memory_space<vmem>>
    %dma_wait3A_222 = arith.constant 0 : i32
    %dma_wait3A_223 = arith.constant 0 : i32
    %dma_wait3A_224 = tpu.memref_slice %arg2[%dma_wait3A_222, %dma_wait3A_223] : memref<8192x32xf32, #tpu.memory_space<hbm>> -> memref<8192x32xf32, #tpu.memory_space<hbm>>
    tpu.wait_indirect_dma semaphore(%arg7 : memref<!tpu.dma_semaphore, #tpu.memory_space<semaphore_mem>>) src(%dma_wait3A_224 : memref<8192x32xf32, #tpu.memory_space<hbm>>) dst(%dma_wait3A_219 : memref<128x32xf32, #tpu.memory_space<vmem>>)
    %dma_wait3A_225 = arith.constant 1536 : i32
    %dma_wait3A_226 = arith.constant 0 : i32
    %dma_wait3A_227 = tpu.memref_slice %arg6[%dma_wait3A_225, %dma_wait3A_226] : memref<2048x32xf32, #tpu.memory_space<vmem>> -> memref<128x32xf32, #tpu.memory_space<vmem>>
    %dma_wait3A_228 = arith.constant 1536 : i32
    %dma_wait3A_229 = tpu.memref_slice %arg5[%dma_wait3A_228] : memref<2048xi32, #tpu.memory_space<vmem>> -> memref<128xi32, #tpu.memory_space<vmem>>
    %dma_wait3A_230 = arith.constant 0 : i32
    %dma_wait3A_231 = arith.constant 0 : i32
    %dma_wait3A_232 = tpu.memref_slice %arg2[%dma_wait3A_230, %dma_wait3A_231] : memref<8192x32xf32, #tpu.memory_space<hbm>> -> memref<8192x32xf32, #tpu.memory_space<hbm>>
    tpu.wait_indirect_dma semaphore(%arg7 : memref<!tpu.dma_semaphore, #tpu.memory_space<semaphore_mem>>) src(%dma_wait3A_232 : memref<8192x32xf32, #tpu.memory_space<hbm>>) dst(%dma_wait3A_227 : memref<128x32xf32, #tpu.memory_space<vmem>>)
    %dma_wait3A_233 = arith.constant 1664 : i32
    %dma_wait3A_234 = arith.constant 0 : i32
    %dma_wait3A_235 = tpu.memref_slice %arg6[%dma_wait3A_233, %dma_wait3A_234] : memref<2048x32xf32, #tpu.memory_space<vmem>> -> memref<128x32xf32, #tpu.memory_space<vmem>>
    %dma_wait3A_236 = arith.constant 1664 : i32
    %dma_wait3A_237 = tpu.memref_slice %arg5[%dma_wait3A_236] : memref<2048xi32, #tpu.memory_space<vmem>> -> memref<128xi32, #tpu.memory_space<vmem>>
    %dma_wait3A_238 = arith.constant 0 : i32
    %dma_wait3A_239 = arith.constant 0 : i32
    %dma_wait3A_240 = tpu.memref_slice %arg2[%dma_wait3A_238, %dma_wait3A_239] : memref<8192x32xf32, #tpu.memory_space<hbm>> -> memref<8192x32xf32, #tpu.memory_space<hbm>>
    tpu.wait_indirect_dma semaphore(%arg7 : memref<!tpu.dma_semaphore, #tpu.memory_space<semaphore_mem>>) src(%dma_wait3A_240 : memref<8192x32xf32, #tpu.memory_space<hbm>>) dst(%dma_wait3A_235 : memref<128x32xf32, #tpu.memory_space<vmem>>)
    %dma_wait3A_241 = arith.constant 1792 : i32
    %dma_wait3A_242 = arith.constant 0 : i32
    %dma_wait3A_243 = tpu.memref_slice %arg6[%dma_wait3A_241, %dma_wait3A_242] : memref<2048x32xf32, #tpu.memory_space<vmem>> -> memref<128x32xf32, #tpu.memory_space<vmem>>
    %dma_wait3A_244 = arith.constant 1792 : i32
    %dma_wait3A_245 = tpu.memref_slice %arg5[%dma_wait3A_244] : memref<2048xi32, #tpu.memory_space<vmem>> -> memref<128xi32, #tpu.memory_space<vmem>>
    %dma_wait3A_246 = arith.constant 0 : i32
    %dma_wait3A_247 = arith.constant 0 : i32
    %dma_wait3A_248 = tpu.memref_slice %arg2[%dma_wait3A_246, %dma_wait3A_247] : memref<8192x32xf32, #tpu.memory_space<hbm>> -> memref<8192x32xf32, #tpu.memory_space<hbm>>
    tpu.wait_indirect_dma semaphore(%arg7 : memref<!tpu.dma_semaphore, #tpu.memory_space<semaphore_mem>>) src(%dma_wait3A_248 : memref<8192x32xf32, #tpu.memory_space<hbm>>) dst(%dma_wait3A_243 : memref<128x32xf32, #tpu.memory_space<vmem>>)
    %dma_wait3A_249 = arith.constant 1920 : i32
    %dma_wait3A_250 = arith.constant 0 : i32
    %dma_wait3A_251 = tpu.memref_slice %arg6[%dma_wait3A_249, %dma_wait3A_250] : memref<2048x32xf32, #tpu.memory_space<vmem>> -> memref<128x32xf32, #tpu.memory_space<vmem>>
    %dma_wait3A_252 = arith.constant 1920 : i32
    %dma_wait3A_253 = tpu.memref_slice %arg5[%dma_wait3A_252] : memref<2048xi32, #tpu.memory_space<vmem>> -> memref<128xi32, #tpu.memory_space<vmem>>
    %dma_wait3A_254 = arith.constant 0 : i32
    %dma_wait3A_255 = arith.constant 0 : i32
    %dma_wait3A_256 = tpu.memref_slice %arg2[%dma_wait3A_254, %dma_wait3A_255] : memref<8192x32xf32, #tpu.memory_space<hbm>> -> memref<8192x32xf32, #tpu.memory_space<hbm>>
    tpu.wait_indirect_dma semaphore(%arg7 : memref<!tpu.dma_semaphore, #tpu.memory_space<semaphore_mem>>) src(%dma_wait3A_256 : memref<8192x32xf32, #tpu.memory_space<hbm>>) dst(%dma_wait3A_251 : memref<128x32xf32, #tpu.memory_space<vmem>>)
    "tpu.region"() ({
      %run_scoped3A = tpu.sem_alloc : memref<!tpu.dma_semaphore, #tpu.memory_space<semaphore_mem>>
      %dma_start3A_257 = arith.constant 0 : i32
      %dma_start3A_258 = tpu.memref_slice %arg4[%mul3A_2, %dma_start3A_257] : memref<65536x32xf32, #tpu.memory_space<hbm>> -> memref<2048x32xf32, #tpu.memory_space<hbm>>
      %dma_start3A_259 = arith.constant 0 : i32
      %dma_start3A_260 = tpu.memref_slice %arg4[%mul3A_2, %dma_start3A_259] : memref<65536x32xf32, #tpu.memory_space<hbm>> -> memref<2048x32xf32, #tpu.memory_space<hbm>>
      tpu.enqueue_dma source(%arg6 : memref<2048x32xf32, #tpu.memory_space<vmem>>) target(%dma_start3A_260 : memref<2048x32xf32, #tpu.memory_space<hbm>>) target_semaphore(%run_scoped3A : memref<!tpu.dma_semaphore, #tpu.memory_space<semaphore_mem>>)
      %dma_wait3A_261 = arith.constant 0 : i32
      %dma_wait3A_262 = tpu.memref_slice %arg4[%mul3A_2, %dma_wait3A_261] : memref<65536x32xf32, #tpu.memory_space<hbm>> -> memref<2048x32xf32, #tpu.memory_space<hbm>>
      %dma_wait3A_263 = arith.constant 0 : i32
      %dma_wait3A_264 = tpu.memref_slice %arg4[%mul3A_2, %dma_wait3A_263] : memref<65536x32xf32, #tpu.memory_space<hbm>> -> memref<2048x32xf32, #tpu.memory_space<hbm>>
      tpu.wait_dma2 semaphore(%run_scoped3A : memref<!tpu.dma_semaphore, #tpu.memory_space<semaphore_mem>>) src(%arg6 : memref<2048x32xf32, #tpu.memory_space<vmem>>) dst(%dma_wait3A_264 : memref<2048x32xf32, #tpu.memory_space<hbm>>)
      tpu.yield
    }) : () -> ()
    return
  }
}

#map = affine_map<(d0, d1) -> (0, 0)>
#map1 = affine_map<(d0, d1) -> (0)>
module attributes {stable_mosaic.version = 14 : i64} {
  func.func @body(%arg0: i32, %arg1: i32, %arg2: memref<8192x32xf32, #tpu.memory_space<hbm>>, %arg3: memref<4096xi32, #tpu.memory_space<hbm>>, %arg4: memref<4096x32xf32, #tpu.memory_space<hbm>>, %arg5: memref<128xi32, #tpu.memory_space<vmem>>, %arg6: memref<128x32xf32, #tpu.memory_space<vmem>>, %arg7: memref<!tpu.dma_semaphore, #tpu.memory_space<semaphore_mem>>) attributes {dimension_semantics = [#tpu.dimension_semantics<core_parallel>, #tpu.dimension_semantics<subcore_parallel>], iteration_bounds = array<i64: 2, 16>, scalar_prefetch = 0 : i64, scratch_operands = 3 : i64, tpu.core_type = #tpu.core_type<sc_vector_subcore>, window_params = [{transform_indices = #map}, {transform_indices = #map1}, {transform_indices = #map}]} {
    %mul3A = arith.constant 2 : i32
    %mul3A_0 = arith.muli %arg1, %mul3A : i32
    %add3A = arith.addi %mul3A_0, %arg0 : i32
    %mul3A_1 = arith.constant 128 : i32
    %mul3A_2 = arith.muli %add3A, %mul3A_1 : i32
    "tpu.region"() ({
      %run_scoped3A = tpu.sem_alloc : memref<!tpu.dma_semaphore, #tpu.memory_space<semaphore_mem>>
      %dma_start3A_17 = tpu.memref_slice %arg3[%mul3A_2] : memref<4096xi32, #tpu.memory_space<hbm>> -> memref<128xi32, #tpu.memory_space<hbm>>
      %dma_start3A_18 = tpu.memref_slice %arg3[%mul3A_2] : memref<4096xi32, #tpu.memory_space<hbm>> -> memref<128xi32, #tpu.memory_space<hbm>>
      tpu.enqueue_dma source(%dma_start3A_18 : memref<128xi32, #tpu.memory_space<hbm>>) target(%arg5 : memref<128xi32, #tpu.memory_space<vmem>>) target_semaphore(%run_scoped3A : memref<!tpu.dma_semaphore, #tpu.memory_space<semaphore_mem>>)
      %dma_wait3A_19 = tpu.memref_slice %arg3[%mul3A_2] : memref<4096xi32, #tpu.memory_space<hbm>> -> memref<128xi32, #tpu.memory_space<hbm>>
      %dma_wait3A_20 = tpu.memref_slice %arg3[%mul3A_2] : memref<4096xi32, #tpu.memory_space<hbm>> -> memref<128xi32, #tpu.memory_space<hbm>>
      tpu.wait_dma2 semaphore(%run_scoped3A : memref<!tpu.dma_semaphore, #tpu.memory_space<semaphore_mem>>) src(%dma_wait3A_20 : memref<128xi32, #tpu.memory_space<hbm>>) dst(%arg5 : memref<128xi32, #tpu.memory_space<vmem>>)
      tpu.yield
    }) : () -> ()
    %dma_start3A = arith.constant 0 : i32
    %dma_start3A_3 = arith.constant 0 : i32
    %dma_start3A_4 = tpu.memref_slice %arg6[%dma_start3A, %dma_start3A_3] : memref<128x32xf32, #tpu.memory_space<vmem>> -> memref<128x32xf32, #tpu.memory_space<vmem>>
    %dma_start3A_5 = arith.constant 0 : i32
    %dma_start3A_6 = tpu.memref_slice %arg5[%dma_start3A_5] : memref<128xi32, #tpu.memory_space<vmem>> -> memref<128xi32, #tpu.memory_space<vmem>>
    %dma_start3A_7 = arith.constant 0 : i32
    %dma_start3A_8 = arith.constant 0 : i32
    %dma_start3A_9 = tpu.memref_slice %arg2[%dma_start3A_7, %dma_start3A_8] : memref<8192x32xf32, #tpu.memory_space<hbm>> -> memref<8192x32xf32, #tpu.memory_space<hbm>>
    tpu.enqueue_indirect_dma source(%dma_start3A_9 : memref<8192x32xf32, #tpu.memory_space<hbm>>) target(%dma_start3A_4 : memref<128x32xf32, #tpu.memory_space<vmem>>) offsets(%dma_start3A_6 : memref<128xi32, #tpu.memory_space<vmem>>) semaphore(%arg7 : memref<!tpu.dma_semaphore, #tpu.memory_space<semaphore_mem>>)
    %dma_wait3A = arith.constant 0 : i32
    %dma_wait3A_10 = arith.constant 0 : i32
    %dma_wait3A_11 = tpu.memref_slice %arg6[%dma_wait3A, %dma_wait3A_10] : memref<128x32xf32, #tpu.memory_space<vmem>> -> memref<128x32xf32, #tpu.memory_space<vmem>>
    %dma_wait3A_12 = arith.constant 0 : i32
    %dma_wait3A_13 = tpu.memref_slice %arg5[%dma_wait3A_12] : memref<128xi32, #tpu.memory_space<vmem>> -> memref<128xi32, #tpu.memory_space<vmem>>
    %dma_wait3A_14 = arith.constant 0 : i32
    %dma_wait3A_15 = arith.constant 0 : i32
    %dma_wait3A_16 = tpu.memref_slice %arg2[%dma_wait3A_14, %dma_wait3A_15] : memref<8192x32xf32, #tpu.memory_space<hbm>> -> memref<8192x32xf32, #tpu.memory_space<hbm>>
    tpu.wait_indirect_dma semaphore(%arg7 : memref<!tpu.dma_semaphore, #tpu.memory_space<semaphore_mem>>) src(%dma_wait3A_16 : memref<8192x32xf32, #tpu.memory_space<hbm>>) dst(%dma_wait3A_11 : memref<128x32xf32, #tpu.memory_space<vmem>>)
    "tpu.region"() ({
      %run_scoped3A = tpu.sem_alloc : memref<!tpu.dma_semaphore, #tpu.memory_space<semaphore_mem>>
      %dma_start3A_17 = arith.constant 0 : i32
      %dma_start3A_18 = tpu.memref_slice %arg4[%mul3A_2, %dma_start3A_17] : memref<4096x32xf32, #tpu.memory_space<hbm>> -> memref<128x32xf32, #tpu.memory_space<hbm>>
      %dma_start3A_19 = arith.constant 0 : i32
      %dma_start3A_20 = tpu.memref_slice %arg4[%mul3A_2, %dma_start3A_19] : memref<4096x32xf32, #tpu.memory_space<hbm>> -> memref<128x32xf32, #tpu.memory_space<hbm>>
      tpu.enqueue_dma source(%arg6 : memref<128x32xf32, #tpu.memory_space<vmem>>) target(%dma_start3A_20 : memref<128x32xf32, #tpu.memory_space<hbm>>) target_semaphore(%run_scoped3A : memref<!tpu.dma_semaphore, #tpu.memory_space<semaphore_mem>>)
      %dma_wait3A_21 = arith.constant 0 : i32
      %dma_wait3A_22 = tpu.memref_slice %arg4[%mul3A_2, %dma_wait3A_21] : memref<4096x32xf32, #tpu.memory_space<hbm>> -> memref<128x32xf32, #tpu.memory_space<hbm>>
      %dma_wait3A_23 = arith.constant 0 : i32
      %dma_wait3A_24 = tpu.memref_slice %arg4[%mul3A_2, %dma_wait3A_23] : memref<4096x32xf32, #tpu.memory_space<hbm>> -> memref<128x32xf32, #tpu.memory_space<hbm>>
      tpu.wait_dma2 semaphore(%run_scoped3A : memref<!tpu.dma_semaphore, #tpu.memory_space<semaphore_mem>>) src(%arg6 : memref<128x32xf32, #tpu.memory_space<vmem>>) dst(%dma_wait3A_24 : memref<128x32xf32, #tpu.memory_space<hbm>>)
      tpu.yield
    }) : () -> ()
    return
  }
}

module attributes {stable_mosaic.version = 14 : i64} {
  func.func @_topk_body(%arg0: i32, %arg1: memref<256x32xf32, #tpu.memory_space<vmem>>, %arg2: memref<256x32xf32, #tpu.memory_space<vmem>>, %arg3: memref<32x8192xf32, #tpu.memory_space<vmem>>, %arg4: memref<256x16xi32, #tpu.memory_space<vmem>>, %arg5: memref<256x1xf32, #tpu.memory_space<vmem>>, %arg6: memref<256x32xf32, #tpu.memory_space<vmem>>) attributes {dimension_semantics = [#tpu.dimension_semantics<arbitrary>], iteration_bounds = array<i64: 16>, scalar_prefetch = 0 : i64, scratch_operands = 0 : i64, tpu.core_type = #tpu.core_type<tc>, window_params = [{transform_indices = @transform_0, window_bounds = array<i64: 256, 32>}, {transform_indices = @transform_1, window_bounds = array<i64: 256, 32>}, {pipeline_mode = #tpu.pipeline_mode<synchronous>, transform_indices = @transform_2, window_bounds = array<i64: 32, 8192>}, {transform_indices = @transform_3, window_bounds = array<i64: 256, 16>}, {transform_indices = @transform_4, window_bounds = array<i64: 256, 1>}, {transform_indices = @transform_5, window_bounds = array<i64: 256, 32>}]} {
    %get3A = arith.constant 0 : index
    %get3A_0 = arith.constant 0 : index
    %get3A_1 = vector.load %arg1[%get3A, %get3A_0] : memref<256x32xf32, #tpu.memory_space<vmem>>, vector<256x32xf32>
    %get3A_2 = arith.constant 0 : index
    %get3A_3 = arith.constant 0 : index
    %get3A_4 = vector.load %arg3[%get3A_2, %get3A_3] : memref<32x8192xf32, #tpu.memory_space<vmem>>, vector<32x8192xf32>
    %mul3A = arith.mulf %get3A_1, %get3A_1 : vector<256x32xf32>
    %reduce_sum3A = arith.constant dense<0.000000e+00> : vector<256xf32>
    %reduce_sum3A_5 = vector.multi_reduction <add>, %mul3A, %reduce_sum3A [1] : vector<256x32xf32> to vector<256xf32>
    %broadcast_in_dim3A = vector.shape_cast %reduce_sum3A_5 : vector<256xf32> to vector<256x1xf32>
    %mul3A_6 = arith.mulf %get3A_4, %get3A_4 : vector<32x8192xf32>
    %reduce_sum3A_7 = arith.constant dense<0.000000e+00> : vector<8192xf32>
    %reduce_sum3A_8 = vector.multi_reduction <add>, %mul3A_6, %reduce_sum3A_7 [0] : vector<32x8192xf32> to vector<8192xf32>
    %broadcast_in_dim3A_9 = vector.shape_cast %reduce_sum3A_8 : vector<8192xf32> to vector<1x8192xf32>
    %dot_general3A = arith.constant dense<0.000000e+00> : vector<256x8192xf32>
    %dot_general3A_10 = tpu.matmul %get3A_1, %get3A_4, %dot_general3A {dimension_numbers = #tpu.dot_dimension_numbers<[1], [0], [0], [1], [0, 0, 1, 1], [], []>, precision = #tpu.contract_precision<fp32>, transpose_lhs_hint = false} : vector<256x32xf32>, vector<32x8192xf32>, vector<256x8192xf32> -> vector<256x8192xf32>
    %add3A = vector.broadcast %broadcast_in_dim3A : vector<256x1xf32> to vector<256x8192xf32>
    %add3A_11 = vector.broadcast %broadcast_in_dim3A_9 : vector<1x8192xf32> to vector<256x8192xf32>
    %add3A_12 = arith.addf %add3A, %add3A_11 : vector<256x8192xf32>
    %mul3A_13 = arith.constant 2.000000e+00 : f32
    %mul3A_14 = vector.broadcast %mul3A_13 : f32 to vector<256x8192xf32>
    %mul3A_15 = arith.mulf %mul3A_14, %dot_general3A_10 : vector<256x8192xf32>
    %sub3A = arith.subf %add3A_12, %mul3A_15 : vector<256x8192xf32>
    %max3A = arith.constant 0.000000e+00 : f32
    %max3A_16 = vector.broadcast %max3A : f32 to vector<256x8192xf32>
    %max3A_17 = arith.maximumf %sub3A, %max3A_16 : vector<256x8192xf32>
    %iota3A = tpu.iota {dimensions = array<i32: 1>} : vector<256x8192xi32>
    %bitcast_convert_type3A = tpu.bitcast %max3A_17 : vector<256x8192xf32> -> vector<256x8192xi32>
    %and3A = arith.constant -8192 : i32
    %and3A_18 = vector.broadcast %and3A : i32 to vector<256x8192xi32>
    %and3A_19 = arith.andi %bitcast_convert_type3A, %and3A_18 : vector<256x8192xi32>
    %or3A = arith.ori %and3A_19, %iota3A : vector<256x8192xi32>
    %reduce_min3A = arith.constant dense<2147483647> : vector<256xi32>
    %reduce_min3A_20 = vector.multi_reduction <minsi>, %or3A, %reduce_min3A [1] : vector<256x8192xi32> to vector<256xi32>
    %broadcast_in_dim3A_21 = vector.shape_cast %reduce_min3A_20 : vector<256xi32> to vector<256x1xi32>
    %add3A_22 = arith.constant 1 : i32
    %add3A_23 = vector.broadcast %add3A_22 : i32 to vector<256x1xi32>
    %add3A_24 = arith.addi %broadcast_in_dim3A_21, %add3A_23 : vector<256x1xi32>
    %add3A_25 = arith.constant -2147483648 : i32
    %add3A_26 = vector.broadcast %add3A_25 : i32 to vector<256x1xi32>
    %add3A_27 = arith.addi %add3A_24, %add3A_26 : vector<256x1xi32>
    %sub3A_28 = vector.broadcast %add3A_27 : vector<256x1xi32> to vector<256x8192xi32>
    %sub3A_29 = arith.subi %or3A, %sub3A_28 : vector<256x8192xi32>
    %reduce_min3A_30 = arith.constant dense<2147483647> : vector<256xi32>
    %reduce_min3A_31 = vector.multi_reduction <minsi>, %sub3A_29, %reduce_min3A_30 [1] : vector<256x8192xi32> to vector<256xi32>
    %broadcast_in_dim3A_32 = vector.shape_cast %reduce_min3A_31 : vector<256xi32> to vector<256x1xi32>
    %add3A_33 = arith.addi %broadcast_in_dim3A_32, %add3A_27 : vector<256x1xi32>
    %and3A_34 = arith.constant 8191 : i32
    %and3A_35 = vector.broadcast %and3A_34 : i32 to vector<256x1xi32>
    %and3A_36 = arith.andi %add3A_33, %and3A_35 : vector<256x1xi32>
    %add3A_37 = arith.constant 1 : i32
    %add3A_38 = vector.broadcast %add3A_37 : i32 to vector<256x1xi32>
    %add3A_39 = arith.addi %add3A_33, %add3A_38 : vector<256x1xi32>
    %add3A_40 = arith.constant -2147483648 : i32
    %add3A_41 = vector.broadcast %add3A_40 : i32 to vector<256x1xi32>
    %add3A_42 = arith.addi %add3A_39, %add3A_41 : vector<256x1xi32>
    %sub3A_43 = vector.broadcast %add3A_42 : vector<256x1xi32> to vector<256x8192xi32>
    %sub3A_44 = arith.subi %or3A, %sub3A_43 : vector<256x8192xi32>
    %reduce_min3A_45 = arith.constant dense<2147483647> : vector<256xi32>
    %reduce_min3A_46 = vector.multi_reduction <minsi>, %sub3A_44, %reduce_min3A_45 [1] : vector<256x8192xi32> to vector<256xi32>
    %broadcast_in_dim3A_47 = vector.shape_cast %reduce_min3A_46 : vector<256xi32> to vector<256x1xi32>
    %add3A_48 = arith.addi %broadcast_in_dim3A_47, %add3A_42 : vector<256x1xi32>
    %and3A_49 = arith.constant 8191 : i32
    %and3A_50 = vector.broadcast %and3A_49 : i32 to vector<256x1xi32>
    %and3A_51 = arith.andi %add3A_48, %and3A_50 : vector<256x1xi32>
    %add3A_52 = arith.constant 1 : i32
    %add3A_53 = vector.broadcast %add3A_52 : i32 to vector<256x1xi32>
    %add3A_54 = arith.addi %add3A_48, %add3A_53 : vector<256x1xi32>
    %add3A_55 = arith.constant -2147483648 : i32
    %add3A_56 = vector.broadcast %add3A_55 : i32 to vector<256x1xi32>
    %add3A_57 = arith.addi %add3A_54, %add3A_56 : vector<256x1xi32>
    %sub3A_58 = vector.broadcast %add3A_57 : vector<256x1xi32> to vector<256x8192xi32>
    %sub3A_59 = arith.subi %or3A, %sub3A_58 : vector<256x8192xi32>
    %reduce_min3A_60 = arith.constant dense<2147483647> : vector<256xi32>
    %reduce_min3A_61 = vector.multi_reduction <minsi>, %sub3A_59, %reduce_min3A_60 [1] : vector<256x8192xi32> to vector<256xi32>
    %broadcast_in_dim3A_62 = vector.shape_cast %reduce_min3A_61 : vector<256xi32> to vector<256x1xi32>
    %add3A_63 = arith.addi %broadcast_in_dim3A_62, %add3A_57 : vector<256x1xi32>
    %and3A_64 = arith.constant 8191 : i32
    %and3A_65 = vector.broadcast %and3A_64 : i32 to vector<256x1xi32>
    %and3A_66 = arith.andi %add3A_63, %and3A_65 : vector<256x1xi32>
    %add3A_67 = arith.constant 1 : i32
    %add3A_68 = vector.broadcast %add3A_67 : i32 to vector<256x1xi32>
    %add3A_69 = arith.addi %add3A_63, %add3A_68 : vector<256x1xi32>
    %add3A_70 = arith.constant -2147483648 : i32
    %add3A_71 = vector.broadcast %add3A_70 : i32 to vector<256x1xi32>
    %add3A_72 = arith.addi %add3A_69, %add3A_71 : vector<256x1xi32>
    %sub3A_73 = vector.broadcast %add3A_72 : vector<256x1xi32> to vector<256x8192xi32>
    %sub3A_74 = arith.subi %or3A, %sub3A_73 : vector<256x8192xi32>
    %reduce_min3A_75 = arith.constant dense<2147483647> : vector<256xi32>
    %reduce_min3A_76 = vector.multi_reduction <minsi>, %sub3A_74, %reduce_min3A_75 [1] : vector<256x8192xi32> to vector<256xi32>
    %broadcast_in_dim3A_77 = vector.shape_cast %reduce_min3A_76 : vector<256xi32> to vector<256x1xi32>
    %add3A_78 = arith.addi %broadcast_in_dim3A_77, %add3A_72 : vector<256x1xi32>
    %and3A_79 = arith.constant 8191 : i32
    %and3A_80 = vector.broadcast %and3A_79 : i32 to vector<256x1xi32>
    %and3A_81 = arith.andi %add3A_78, %and3A_80 : vector<256x1xi32>
    %add3A_82 = arith.constant 1 : i32
    %add3A_83 = vector.broadcast %add3A_82 : i32 to vector<256x1xi32>
    %add3A_84 = arith.addi %add3A_78, %add3A_83 : vector<256x1xi32>
    %add3A_85 = arith.constant -2147483648 : i32
    %add3A_86 = vector.broadcast %add3A_85 : i32 to vector<256x1xi32>
    %add3A_87 = arith.addi %add3A_84, %add3A_86 : vector<256x1xi32>
    %sub3A_88 = vector.broadcast %add3A_87 : vector<256x1xi32> to vector<256x8192xi32>
    %sub3A_89 = arith.subi %or3A, %sub3A_88 : vector<256x8192xi32>
    %reduce_min3A_90 = arith.constant dense<2147483647> : vector<256xi32>
    %reduce_min3A_91 = vector.multi_reduction <minsi>, %sub3A_89, %reduce_min3A_90 [1] : vector<256x8192xi32> to vector<256xi32>
    %broadcast_in_dim3A_92 = vector.shape_cast %reduce_min3A_91 : vector<256xi32> to vector<256x1xi32>
    %add3A_93 = arith.addi %broadcast_in_dim3A_92, %add3A_87 : vector<256x1xi32>
    %and3A_94 = arith.constant 8191 : i32
    %and3A_95 = vector.broadcast %and3A_94 : i32 to vector<256x1xi32>
    %and3A_96 = arith.andi %add3A_93, %and3A_95 : vector<256x1xi32>
    %add3A_97 = arith.constant 1 : i32
    %add3A_98 = vector.broadcast %add3A_97 : i32 to vector<256x1xi32>
    %add3A_99 = arith.addi %add3A_93, %add3A_98 : vector<256x1xi32>
    %add3A_100 = arith.constant -2147483648 : i32
    %add3A_101 = vector.broadcast %add3A_100 : i32 to vector<256x1xi32>
    %add3A_102 = arith.addi %add3A_99, %add3A_101 : vector<256x1xi32>
    %sub3A_103 = vector.broadcast %add3A_102 : vector<256x1xi32> to vector<256x8192xi32>
    %sub3A_104 = arith.subi %or3A, %sub3A_103 : vector<256x8192xi32>
    %reduce_min3A_105 = arith.constant dense<2147483647> : vector<256xi32>
    %reduce_min3A_106 = vector.multi_reduction <minsi>, %sub3A_104, %reduce_min3A_105 [1] : vector<256x8192xi32> to vector<256xi32>
    %broadcast_in_dim3A_107 = vector.shape_cast %reduce_min3A_106 : vector<256xi32> to vector<256x1xi32>
    %add3A_108 = arith.addi %broadcast_in_dim3A_107, %add3A_102 : vector<256x1xi32>
    %and3A_109 = arith.constant 8191 : i32
    %and3A_110 = vector.broadcast %and3A_109 : i32 to vector<256x1xi32>
    %and3A_111 = arith.andi %add3A_108, %and3A_110 : vector<256x1xi32>
    %add3A_112 = arith.constant 1 : i32
    %add3A_113 = vector.broadcast %add3A_112 : i32 to vector<256x1xi32>
    %add3A_114 = arith.addi %add3A_108, %add3A_113 : vector<256x1xi32>
    %add3A_115 = arith.constant -2147483648 : i32
    %add3A_116 = vector.broadcast %add3A_115 : i32 to vector<256x1xi32>
    %add3A_117 = arith.addi %add3A_114, %add3A_116 : vector<256x1xi32>
    %sub3A_118 = vector.broadcast %add3A_117 : vector<256x1xi32> to vector<256x8192xi32>
    %sub3A_119 = arith.subi %or3A, %sub3A_118 : vector<256x8192xi32>
    %reduce_min3A_120 = arith.constant dense<2147483647> : vector<256xi32>
    %reduce_min3A_121 = vector.multi_reduction <minsi>, %sub3A_119, %reduce_min3A_120 [1] : vector<256x8192xi32> to vector<256xi32>
    %broadcast_in_dim3A_122 = vector.shape_cast %reduce_min3A_121 : vector<256xi32> to vector<256x1xi32>
    %add3A_123 = arith.addi %broadcast_in_dim3A_122, %add3A_117 : vector<256x1xi32>
    %and3A_124 = arith.constant 8191 : i32
    %and3A_125 = vector.broadcast %and3A_124 : i32 to vector<256x1xi32>
    %and3A_126 = arith.andi %add3A_123, %and3A_125 : vector<256x1xi32>
    %add3A_127 = arith.constant 1 : i32
    %add3A_128 = vector.broadcast %add3A_127 : i32 to vector<256x1xi32>
    %add3A_129 = arith.addi %add3A_123, %add3A_128 : vector<256x1xi32>
    %add3A_130 = arith.constant -2147483648 : i32
    %add3A_131 = vector.broadcast %add3A_130 : i32 to vector<256x1xi32>
    %add3A_132 = arith.addi %add3A_129, %add3A_131 : vector<256x1xi32>
    %sub3A_133 = vector.broadcast %add3A_132 : vector<256x1xi32> to vector<256x8192xi32>
    %sub3A_134 = arith.subi %or3A, %sub3A_133 : vector<256x8192xi32>
    %reduce_min3A_135 = arith.constant dense<2147483647> : vector<256xi32>
    %reduce_min3A_136 = vector.multi_reduction <minsi>, %sub3A_134, %reduce_min3A_135 [1] : vector<256x8192xi32> to vector<256xi32>
    %broadcast_in_dim3A_137 = vector.shape_cast %reduce_min3A_136 : vector<256xi32> to vector<256x1xi32>
    %add3A_138 = arith.addi %broadcast_in_dim3A_137, %add3A_132 : vector<256x1xi32>
    %and3A_139 = arith.constant 8191 : i32
    %and3A_140 = vector.broadcast %and3A_139 : i32 to vector<256x1xi32>
    %and3A_141 = arith.andi %add3A_138, %and3A_140 : vector<256x1xi32>
    %add3A_142 = arith.constant 1 : i32
    %add3A_143 = vector.broadcast %add3A_142 : i32 to vector<256x1xi32>
    %add3A_144 = arith.addi %add3A_138, %add3A_143 : vector<256x1xi32>
    %add3A_145 = arith.constant -2147483648 : i32
    %add3A_146 = vector.broadcast %add3A_145 : i32 to vector<256x1xi32>
    %add3A_147 = arith.addi %add3A_144, %add3A_146 : vector<256x1xi32>
    %sub3A_148 = vector.broadcast %add3A_147 : vector<256x1xi32> to vector<256x8192xi32>
    %sub3A_149 = arith.subi %or3A, %sub3A_148 : vector<256x8192xi32>
    %reduce_min3A_150 = arith.constant dense<2147483647> : vector<256xi32>
    %reduce_min3A_151 = vector.multi_reduction <minsi>, %sub3A_149, %reduce_min3A_150 [1] : vector<256x8192xi32> to vector<256xi32>
    %broadcast_in_dim3A_152 = vector.shape_cast %reduce_min3A_151 : vector<256xi32> to vector<256x1xi32>
    %add3A_153 = arith.addi %broadcast_in_dim3A_152, %add3A_147 : vector<256x1xi32>
    %and3A_154 = arith.constant 8191 : i32
    %and3A_155 = vector.broadcast %and3A_154 : i32 to vector<256x1xi32>
    %and3A_156 = arith.andi %add3A_153, %and3A_155 : vector<256x1xi32>
    %add3A_157 = arith.constant 1 : i32
    %add3A_158 = vector.broadcast %add3A_157 : i32 to vector<256x1xi32>
    %add3A_159 = arith.addi %add3A_153, %add3A_158 : vector<256x1xi32>
    %add3A_160 = arith.constant -2147483648 : i32
    %add3A_161 = vector.broadcast %add3A_160 : i32 to vector<256x1xi32>
    %add3A_162 = arith.addi %add3A_159, %add3A_161 : vector<256x1xi32>
    %sub3A_163 = vector.broadcast %add3A_162 : vector<256x1xi32> to vector<256x8192xi32>
    %sub3A_164 = arith.subi %or3A, %sub3A_163 : vector<256x8192xi32>
    %reduce_min3A_165 = arith.constant dense<2147483647> : vector<256xi32>
    %reduce_min3A_166 = vector.multi_reduction <minsi>, %sub3A_164, %reduce_min3A_165 [1] : vector<256x8192xi32> to vector<256xi32>
    %broadcast_in_dim3A_167 = vector.shape_cast %reduce_min3A_166 : vector<256xi32> to vector<256x1xi32>
    %add3A_168 = arith.addi %broadcast_in_dim3A_167, %add3A_162 : vector<256x1xi32>
    %and3A_169 = arith.constant 8191 : i32
    %and3A_170 = vector.broadcast %and3A_169 : i32 to vector<256x1xi32>
    %and3A_171 = arith.andi %add3A_168, %and3A_170 : vector<256x1xi32>
    %add3A_172 = arith.constant 1 : i32
    %add3A_173 = vector.broadcast %add3A_172 : i32 to vector<256x1xi32>
    %add3A_174 = arith.addi %add3A_168, %add3A_173 : vector<256x1xi32>
    %add3A_175 = arith.constant -2147483648 : i32
    %add3A_176 = vector.broadcast %add3A_175 : i32 to vector<256x1xi32>
    %add3A_177 = arith.addi %add3A_174, %add3A_176 : vector<256x1xi32>
    %sub3A_178 = vector.broadcast %add3A_177 : vector<256x1xi32> to vector<256x8192xi32>
    %sub3A_179 = arith.subi %or3A, %sub3A_178 : vector<256x8192xi32>
    %reduce_min3A_180 = arith.constant dense<2147483647> : vector<256xi32>
    %reduce_min3A_181 = vector.multi_reduction <minsi>, %sub3A_179, %reduce_min3A_180 [1] : vector<256x8192xi32> to vector<256xi32>
    %broadcast_in_dim3A_182 = vector.shape_cast %reduce_min3A_181 : vector<256xi32> to vector<256x1xi32>
    %add3A_183 = arith.addi %broadcast_in_dim3A_182, %add3A_177 : vector<256x1xi32>
    %and3A_184 = arith.constant 8191 : i32
    %and3A_185 = vector.broadcast %and3A_184 : i32 to vector<256x1xi32>
    %and3A_186 = arith.andi %add3A_183, %and3A_185 : vector<256x1xi32>
    %add3A_187 = arith.constant 1 : i32
    %add3A_188 = vector.broadcast %add3A_187 : i32 to vector<256x1xi32>
    %add3A_189 = arith.addi %add3A_183, %add3A_188 : vector<256x1xi32>
    %add3A_190 = arith.constant -2147483648 : i32
    %add3A_191 = vector.broadcast %add3A_190 : i32 to vector<256x1xi32>
    %add3A_192 = arith.addi %add3A_189, %add3A_191 : vector<256x1xi32>
    %sub3A_193 = vector.broadcast %add3A_192 : vector<256x1xi32> to vector<256x8192xi32>
    %sub3A_194 = arith.subi %or3A, %sub3A_193 : vector<256x8192xi32>
    %reduce_min3A_195 = arith.constant dense<2147483647> : vector<256xi32>
    %reduce_min3A_196 = vector.multi_reduction <minsi>, %sub3A_194, %reduce_min3A_195 [1] : vector<256x8192xi32> to vector<256xi32>
    %broadcast_in_dim3A_197 = vector.shape_cast %reduce_min3A_196 : vector<256xi32> to vector<256x1xi32>
    %add3A_198 = arith.addi %broadcast_in_dim3A_197, %add3A_192 : vector<256x1xi32>
    %and3A_199 = arith.constant 8191 : i32
    %and3A_200 = vector.broadcast %and3A_199 : i32 to vector<256x1xi32>
    %and3A_201 = arith.andi %add3A_198, %and3A_200 : vector<256x1xi32>
    %add3A_202 = arith.constant 1 : i32
    %add3A_203 = vector.broadcast %add3A_202 : i32 to vector<256x1xi32>
    %add3A_204 = arith.addi %add3A_198, %add3A_203 : vector<256x1xi32>
    %add3A_205 = arith.constant -2147483648 : i32
    %add3A_206 = vector.broadcast %add3A_205 : i32 to vector<256x1xi32>
    %add3A_207 = arith.addi %add3A_204, %add3A_206 : vector<256x1xi32>
    %sub3A_208 = vector.broadcast %add3A_207 : vector<256x1xi32> to vector<256x8192xi32>
    %sub3A_209 = arith.subi %or3A, %sub3A_208 : vector<256x8192xi32>
    %reduce_min3A_210 = arith.constant dense<2147483647> : vector<256xi32>
    %reduce_min3A_211 = vector.multi_reduction <minsi>, %sub3A_209, %reduce_min3A_210 [1] : vector<256x8192xi32> to vector<256xi32>
    %broadcast_in_dim3A_212 = vector.shape_cast %reduce_min3A_211 : vector<256xi32> to vector<256x1xi32>
    %add3A_213 = arith.addi %broadcast_in_dim3A_212, %add3A_207 : vector<256x1xi32>
    %and3A_214 = arith.constant 8191 : i32
    %and3A_215 = vector.broadcast %and3A_214 : i32 to vector<256x1xi32>
    %and3A_216 = arith.andi %add3A_213, %and3A_215 : vector<256x1xi32>
    %add3A_217 = arith.constant 1 : i32
    %add3A_218 = vector.broadcast %add3A_217 : i32 to vector<256x1xi32>
    %add3A_219 = arith.addi %add3A_213, %add3A_218 : vector<256x1xi32>
    %add3A_220 = arith.constant -2147483648 : i32
    %add3A_221 = vector.broadcast %add3A_220 : i32 to vector<256x1xi32>
    %add3A_222 = arith.addi %add3A_219, %add3A_221 : vector<256x1xi32>
    %sub3A_223 = vector.broadcast %add3A_222 : vector<256x1xi32> to vector<256x8192xi32>
    %sub3A_224 = arith.subi %or3A, %sub3A_223 : vector<256x8192xi32>
    %reduce_min3A_225 = arith.constant dense<2147483647> : vector<256xi32>
    %reduce_min3A_226 = vector.multi_reduction <minsi>, %sub3A_224, %reduce_min3A_225 [1] : vector<256x8192xi32> to vector<256xi32>
    %broadcast_in_dim3A_227 = vector.shape_cast %reduce_min3A_226 : vector<256xi32> to vector<256x1xi32>
    %add3A_228 = arith.addi %broadcast_in_dim3A_227, %add3A_222 : vector<256x1xi32>
    %and3A_229 = arith.constant 8191 : i32
    %and3A_230 = vector.broadcast %and3A_229 : i32 to vector<256x1xi32>
    %and3A_231 = arith.andi %add3A_228, %and3A_230 : vector<256x1xi32>
    %add3A_232 = arith.constant 1 : i32
    %add3A_233 = vector.broadcast %add3A_232 : i32 to vector<256x1xi32>
    %add3A_234 = arith.addi %add3A_228, %add3A_233 : vector<256x1xi32>
    %add3A_235 = arith.constant -2147483648 : i32
    %add3A_236 = vector.broadcast %add3A_235 : i32 to vector<256x1xi32>
    %add3A_237 = arith.addi %add3A_234, %add3A_236 : vector<256x1xi32>
    %sub3A_238 = vector.broadcast %add3A_237 : vector<256x1xi32> to vector<256x8192xi32>
    %sub3A_239 = arith.subi %or3A, %sub3A_238 : vector<256x8192xi32>
    %reduce_min3A_240 = arith.constant dense<2147483647> : vector<256xi32>
    %reduce_min3A_241 = vector.multi_reduction <minsi>, %sub3A_239, %reduce_min3A_240 [1] : vector<256x8192xi32> to vector<256xi32>
    %broadcast_in_dim3A_242 = vector.shape_cast %reduce_min3A_241 : vector<256xi32> to vector<256x1xi32>
    %add3A_243 = arith.addi %broadcast_in_dim3A_242, %add3A_237 : vector<256x1xi32>
    %and3A_244 = arith.constant 8191 : i32
    %and3A_245 = vector.broadcast %and3A_244 : i32 to vector<256x1xi32>
    %and3A_246 = arith.andi %add3A_243, %and3A_245 : vector<256x1xi32>
    %add3A_247 = arith.constant 1 : i32
    %add3A_248 = vector.broadcast %add3A_247 : i32 to vector<256x1xi32>
    %add3A_249 = arith.addi %add3A_243, %add3A_248 : vector<256x1xi32>
    %add3A_250 = arith.constant -2147483648 : i32
    %add3A_251 = vector.broadcast %add3A_250 : i32 to vector<256x1xi32>
    %add3A_252 = arith.addi %add3A_249, %add3A_251 : vector<256x1xi32>
    %sub3A_253 = vector.broadcast %add3A_252 : vector<256x1xi32> to vector<256x8192xi32>
    %sub3A_254 = arith.subi %or3A, %sub3A_253 : vector<256x8192xi32>
    %reduce_min3A_255 = arith.constant dense<2147483647> : vector<256xi32>
    %reduce_min3A_256 = vector.multi_reduction <minsi>, %sub3A_254, %reduce_min3A_255 [1] : vector<256x8192xi32> to vector<256xi32>
    %broadcast_in_dim3A_257 = vector.shape_cast %reduce_min3A_256 : vector<256xi32> to vector<256x1xi32>
    %add3A_258 = arith.addi %broadcast_in_dim3A_257, %add3A_252 : vector<256x1xi32>
    %and3A_259 = arith.constant 8191 : i32
    %and3A_260 = vector.broadcast %and3A_259 : i32 to vector<256x1xi32>
    %and3A_261 = arith.andi %add3A_258, %and3A_260 : vector<256x1xi32>
    %concatenate3A = tpu.concatenate %and3A_36, %and3A_51, %and3A_66, %and3A_81, %and3A_96, %and3A_111, %and3A_126, %and3A_141, %and3A_156, %and3A_171, %and3A_186, %and3A_201, %and3A_216, %and3A_231, %and3A_246, %and3A_261 in 1 : vector<256x1xi32>, vector<256x1xi32>, vector<256x1xi32>, vector<256x1xi32>, vector<256x1xi32>, vector<256x1xi32>, vector<256x1xi32>, vector<256x1xi32>, vector<256x1xi32>, vector<256x1xi32>, vector<256x1xi32>, vector<256x1xi32>, vector<256x1xi32>, vector<256x1xi32>, vector<256x1xi32>, vector<256x1xi32> -> vector<256x16xi32>
    %swap3A = arith.constant 0 : index
    %swap3A_262 = arith.constant 0 : index
    %swap3A_263 = vector.load %arg4[%swap3A, %swap3A_262] : memref<256x16xi32, #tpu.memory_space<vmem>>, vector<256x16xi32>
    tpu.vector_store %arg4[%swap3A, %swap3A_262], %concatenate3A {strides = array<i32>} : memref<256x16xi32, #tpu.memory_space<vmem>>, vector<256x16xi32>,
    %get3A_264 = arith.constant 0 : index
    %get3A_265 = arith.constant 0 : index
    %get3A_266 = vector.load %arg2[%get3A_264, %get3A_265] : memref<256x32xf32, #tpu.memory_space<vmem>>, vector<256x32xf32>
    %mul3A_267 = arith.mulf %get3A_266, %get3A_266 : vector<256x32xf32>
    %reduce_sum3A_268 = arith.constant dense<0.000000e+00> : vector<256xf32>
    %reduce_sum3A_269 = vector.multi_reduction <add>, %mul3A_267, %reduce_sum3A_268 [1] : vector<256x32xf32> to vector<256xf32>
    %broadcast_in_dim3A_270 = vector.shape_cast %reduce_sum3A_269 : vector<256xf32> to vector<256x1xf32>
    %sqrt3A = math.sqrt %broadcast_in_dim3A_270 : vector<256x1xf32>
    %max3A_271 = arith.constant 9.99999996E-13 : f32
    %max3A_272 = vector.broadcast %max3A_271 : f32 to vector<256x1xf32>
    %max3A_273 = arith.maximumf %sqrt3A, %max3A_272 : vector<256x1xf32>
    %div3A = vector.broadcast %max3A_273 : vector<256x1xf32> to vector<256x32xf32>
    %div3A_274 = arith.divf %get3A_266, %div3A : vector<256x32xf32>
    %sqrt3A_275 = math.sqrt %broadcast_in_dim3A : vector<256x1xf32>
    %max3A_276 = arith.constant 9.99999996E-13 : f32
    %max3A_277 = vector.broadcast %max3A_276 : f32 to vector<256x1xf32>
    %max3A_278 = arith.maximumf %sqrt3A_275, %max3A_277 : vector<256x1xf32>
    %div3A_279 = vector.broadcast %max3A_278 : vector<256x1xf32> to vector<256x32xf32>
    %div3A_280 = arith.divf %get3A_1, %div3A_279 : vector<256x32xf32>
    %swap3A_281 = arith.constant 0 : index
    %swap3A_282 = arith.constant 0 : index
    %swap3A_283 = vector.load %arg6[%swap3A_281, %swap3A_282] : memref<256x32xf32, #tpu.memory_space<vmem>>, vector<256x32xf32>
    tpu.vector_store %arg6[%swap3A_281, %swap3A_282], %div3A_274 {strides = array<i32>} : memref<256x32xf32, #tpu.memory_space<vmem>>, vector<256x32xf32>,
    %mul3A_284 = arith.mulf %div3A_274, %div3A_280 : vector<256x32xf32>
    %reduce_sum3A_285 = arith.constant dense<0.000000e+00> : vector<256xf32>
    %reduce_sum3A_286 = vector.multi_reduction <add>, %mul3A_284, %reduce_sum3A_285 [1] : vector<256x32xf32> to vector<256xf32>
    %broadcast_in_dim3A_287 = vector.shape_cast %reduce_sum3A_286 : vector<256xf32> to vector<256x1xf32>
    %div3A_288 = arith.constant 7.000000e-02 : f32
    %div3A_289 = vector.broadcast %div3A_288 : f32 to vector<256x1xf32>
    %div3A_290 = arith.divf %broadcast_in_dim3A_287, %div3A_289 : vector<256x1xf32>
    %swap3A_291 = arith.constant 0 : index
    %swap3A_292 = arith.constant 0 : index
    %swap3A_293 = vector.load %arg5[%swap3A_291, %swap3A_292] : memref<256x1xf32, #tpu.memory_space<vmem>>, vector<256x1xf32>
    tpu.vector_store %arg5[%swap3A_291, %swap3A_292], %div3A_290 {strides = array<i32>} : memref<256x1xf32, #tpu.memory_space<vmem>>, vector<256x1xf32>,
    return
  }
  func.func @transform_0(%arg0: i32) -> (i32, i32) {
    %c0_i32 = arith.constant 0 : i32
    %c0_i32_0 = arith.constant 0 : i32
    return %arg0, %c0_i32 : i32, i32
  }
  func.func @transform_1(%arg0: i32) -> (i32, i32) {
    %c0_i32 = arith.constant 0 : i32
    %c0_i32_0 = arith.constant 0 : i32
    return %arg0, %c0_i32 : i32, i32
  }
  func.func @transform_2(%arg0: i32) -> (i32, i32) {
    %c0_i32 = arith.constant 0 : i32
    %c0_i32_0 = arith.constant 0 : i32
    %c0_i32_1 = arith.constant 0 : i32
    return %c0_i32, %c0_i32_0 : i32, i32
  }
  func.func @transform_3(%arg0: i32) -> (i32, i32) {
    %c0_i32 = arith.constant 0 : i32
    %c0_i32_0 = arith.constant 0 : i32
    return %arg0, %c0_i32 : i32, i32
  }
  func.func @transform_4(%arg0: i32) -> (i32, i32) {
    %c0_i32 = arith.constant 0 : i32
    %c0_i32_0 = arith.constant 0 : i32
    return %arg0, %c0_i32 : i32, i32
  }
  func.func @transform_5(%arg0: i32) -> (i32, i32) {
    %c0_i32 = arith.constant 0 : i32
    %c0_i32_0 = arith.constant 0 : i32
    return %arg0, %c0_i32 : i32, i32
  }
}

module attributes {stable_mosaic.version = 14 : i64} {
  func.func @_loss_body(%arg0: memref<4096x32xf32, #tpu.memory_space<vmem>>, %arg1: memref<4096x1xf32, #tpu.memory_space<vmem>>, %arg2: memref<4096x512xf32, #tpu.memory_space<vmem>>, %arg3: memref<1x1xf32, #tpu.memory_space<vmem>>) attributes {dimension_semantics = [], scalar_prefetch = 0 : i64, scratch_operands = 0 : i64, tpu.core_type = #tpu.core_type<tc>} {
    %get3A = arith.constant 0 : index
    %get3A_0 = arith.constant 0 : index
    %get3A_1 = vector.load %arg0[%get3A, %get3A_0] : memref<4096x32xf32, #tpu.memory_space<vmem>>, vector<4096x32xf32>
    %get3A_2 = arith.constant 0 : index
    %get3A_3 = arith.constant 0 : index
    %get3A_4 = vector.load %arg2[%get3A_2, %get3A_3] : memref<4096x512xf32, #tpu.memory_space<vmem>>, vector<4096x512xf32>
    %iota3A = tpu.iota {dimensions = array<i32: 0>} : vector<32x512xi32>
    %iota3A_5 = tpu.iota {dimensions = array<i32: 1>} : vector<32x512xi32>
    %jit3A = arith.constant 32 : i32
    %eq3A = arith.constant 0 : i32
    %eq3A_6 = arith.cmpi eq, %jit3A, %eq3A : i32
    %jit3A_7 = arith.constant 1 : i32
    %select_n3A = arith.select %eq3A_6, %jit3A_7, %jit3A : i32
    %rem3A = vector.broadcast %select_n3A : i32 to vector<32x512xi32>
    %rem3A_8 = arith.remsi %iota3A_5, %rem3A : vector<32x512xi32>
    %ne3A = arith.constant 0 : i32
    %ne3A_9 = vector.broadcast %ne3A : i32 to vector<32x512xi32>
    %ne3A_10 = arith.cmpi ne, %rem3A_8, %ne3A_9 : vector<32x512xi32>
    %lt3A = arith.constant 0 : i32
    %lt3A_11 = vector.broadcast %lt3A : i32 to vector<32x512xi32>
    %lt3A_12 = arith.cmpi slt, %rem3A_8, %lt3A_11 : vector<32x512xi32>
    %lt3A_13 = arith.constant 0 : i32
    %lt3A_14 = arith.cmpi slt, %select_n3A, %lt3A_13 : i32
    %ne3A_15 = vector.broadcast %lt3A_14 : i1 to vector<32x512xi1>
    %ne3A_16 = vector.broadcast %ne3A_15 : vector<32x512xi1> to vector<32x512xi1>
    %ne3A_17 = arith.xori %lt3A_12, %ne3A_16 : vector<32x512xi1>
    %and3A = arith.andi %ne3A_17, %ne3A_10 : vector<32x512xi1>
    %add3A = vector.broadcast %select_n3A : i32 to vector<32x512xi32>
    %add3A_18 = arith.addi %rem3A_8, %add3A : vector<32x512xi32>
    %select_n3A_19 = arith.select %and3A, %add3A_18, %rem3A_8 : vector<32x512xi1>, vector<32x512xi32>
    %eq3A_20 = arith.cmpi eq, %select_n3A_19, %iota3A : vector<32x512xi32>
    %convert_element_type3A = arith.extui %eq3A_20 : vector<32x512xi1> to vector<32x512xi32>
    %convert_element_type3A_21 = arith.sitofp %convert_element_type3A : vector<32x512xi32> to vector<32x512xf32>
    %iota3A_22 = tpu.iota {dimensions = array<i32: 0>} : vector<512x16xi32>
    %iota3A_23 = tpu.iota {dimensions = array<i32: 1>} : vector<512x16xi32>
    %jit3A_24 = arith.constant 32 : i32
    %div3A = vector.broadcast %jit3A_24 : i32 to vector<512x16xi32>
    %div3A_25 = arith.divsi %iota3A_22, %div3A : vector<512x16xi32>
    %sign3A = arith.constant 0 : i32
    %sign3A_26 = vector.broadcast %sign3A : i32 to vector<512x16xi32>
    %sign3A_27 = arith.cmpi sgt, %iota3A_22, %sign3A_26 : vector<512x16xi32>
    %sign3A_28 = arith.extui %sign3A_27 : vector<512x16xi1> to vector<512x16xi32>
    %sign3A_29 = arith.constant 0 : i32
    %sign3A_30 = vector.broadcast %sign3A_29 : i32 to vector<512x16xi32>
    %sign3A_31 = arith.cmpi slt, %iota3A_22, %sign3A_30 : vector<512x16xi32>
    %sign3A_32 = arith.extui %sign3A_31 : vector<512x16xi1> to vector<512x16xi32>
    %sign3A_33 = arith.subi %sign3A_28, %sign3A_32 : vector<512x16xi32>
    %sign3A_34 = arith.constant 0 : i32
    %sign3A_35 = arith.cmpi sgt, %jit3A_24, %sign3A_34 : i32
    %sign3A_36 = arith.extui %sign3A_35 : i1 to i32
    %sign3A_37 = arith.constant 0 : i32
    %sign3A_38 = arith.cmpi slt, %jit3A_24, %sign3A_37 : i32
    %sign3A_39 = arith.extui %sign3A_38 : i1 to i32
    %sign3A_40 = arith.subi %sign3A_36, %sign3A_39 : i32
    %ne3A_41 = vector.broadcast %sign3A_40 : i32 to vector<512x16xi32>
    %ne3A_42 = arith.cmpi ne, %sign3A_33, %ne3A_41 : vector<512x16xi32>
    %rem3A_43 = vector.broadcast %jit3A_24 : i32 to vector<512x16xi32>
    %rem3A_44 = arith.remsi %iota3A_22, %rem3A_43 : vector<512x16xi32>
    %ne3A_45 = arith.constant 0 : i32
    %ne3A_46 = vector.broadcast %ne3A_45 : i32 to vector<512x16xi32>
    %ne3A_47 = arith.cmpi ne, %rem3A_44, %ne3A_46 : vector<512x16xi32>
    %and3A_48 = arith.andi %ne3A_42, %ne3A_47 : vector<512x16xi1>
    %sub3A = arith.constant 1 : i32
    %sub3A_49 = vector.broadcast %sub3A : i32 to vector<512x16xi32>
    %sub3A_50 = arith.subi %div3A_25, %sub3A_49 : vector<512x16xi32>
    %select_n3A_51 = arith.select %and3A_48, %sub3A_50, %div3A_25 : vector<512x16xi1>, vector<512x16xi32>
    %eq3A_52 = arith.cmpi eq, %select_n3A_51, %iota3A_23 : vector<512x16xi32>
    %convert_element_type3A_53 = arith.extui %eq3A_52 : vector<512x16xi1> to vector<512x16xi32>
    %convert_element_type3A_54 = arith.sitofp %convert_element_type3A_53 : vector<512x16xi32> to vector<512x16xf32>
    %dot_general3A = arith.constant dense<0.000000e+00> : vector<4096x512xf32>
    %dot_general3A_55 = tpu.matmul %get3A_1, %convert_element_type3A_21, %dot_general3A {dimension_numbers = #tpu.dot_dimension_numbers<[1], [0], [0], [1], [0, 0, 1, 1], [], []>, transpose_lhs_hint = false} : vector<4096x32xf32>, vector<32x512xf32>, vector<4096x512xf32> -> vector<4096x512xf32>
    %mul3A = arith.mulf %get3A_4, %dot_general3A_55 : vector<4096x512xf32>
    %dot_general3A_56 = arith.constant dense<0.000000e+00> : vector<4096x16xf32>
    %dot_general3A_57 = tpu.matmul %mul3A, %convert_element_type3A_54, %dot_general3A_56 {dimension_numbers = #tpu.dot_dimension_numbers<[1], [0], [0], [1], [0, 0, 1, 1], [], []>, transpose_lhs_hint = false} : vector<4096x512xf32>, vector<512x16xf32>, vector<4096x16xf32> -> vector<4096x16xf32>
    %mul3A_58 = arith.mulf %get3A_4, %get3A_4 : vector<4096x512xf32>
    %dot_general3A_59 = arith.constant dense<0.000000e+00> : vector<4096x16xf32>
    %dot_general3A_60 = tpu.matmul %mul3A_58, %convert_element_type3A_54, %dot_general3A_59 {dimension_numbers = #tpu.dot_dimension_numbers<[1], [0], [0], [1], [0, 0, 1, 1], [], []>, transpose_lhs_hint = false} : vector<4096x512xf32>, vector<512x16xf32>, vector<4096x16xf32> -> vector<4096x16xf32>
    %sqrt3A = math.sqrt %dot_general3A_60 : vector<4096x16xf32>
    %max3A = arith.constant 9.99999996E-13 : f32
    %max3A_61 = vector.broadcast %max3A : f32 to vector<4096x16xf32>
    %max3A_62 = arith.maximumf %sqrt3A, %max3A_61 : vector<4096x16xf32>
    %div3A_63 = arith.divf %dot_general3A_57, %max3A_62 : vector<4096x16xf32>
    %div3A_64 = arith.constant 7.000000e-02 : f32
    %div3A_65 = vector.broadcast %div3A_64 : f32 to vector<4096x16xf32>
    %div3A_66 = arith.divf %div3A_63, %div3A_65 : vector<4096x16xf32>
    %get3A_67 = arith.constant 0 : index
    %get3A_68 = arith.constant 0 : index
    %get3A_69 = vector.load %arg1[%get3A_67, %get3A_68] : memref<4096x1xf32, #tpu.memory_space<vmem>>, vector<4096x1xf32>
    %concatenate3A = tpu.concatenate %get3A_69, %div3A_66 in 1 : vector<4096x1xf32>, vector<4096x16xf32> -> vector<4096x17xf32>
    %reduce_max3A = arith.constant dense<0xFF800000> : vector<4096xf32>
    %reduce_max3A_70 = vector.multi_reduction <maximumf>, %concatenate3A, %reduce_max3A [1] : vector<4096x17xf32> to vector<4096xf32>
    %broadcast_in_dim3A = vector.shape_cast %reduce_max3A_70 : vector<4096xf32> to vector<4096x1xf32>
    %sub3A_71 = vector.broadcast %broadcast_in_dim3A : vector<4096x1xf32> to vector<4096x17xf32>
    %sub3A_72 = arith.subf %concatenate3A, %sub3A_71 : vector<4096x17xf32>
    %exp3A = math.exp %sub3A_72 : vector<4096x17xf32>
    %reduce_sum3A = arith.constant dense<0.000000e+00> : vector<4096xf32>
    %reduce_sum3A_73 = vector.multi_reduction <add>, %exp3A, %reduce_sum3A [1] : vector<4096x17xf32> to vector<4096xf32>
    %broadcast_in_dim3A_74 = vector.shape_cast %reduce_sum3A_73 : vector<4096xf32> to vector<4096x1xf32>
    %log3A = math.log %broadcast_in_dim3A_74 : vector<4096x1xf32>
    %add3A_75 = arith.addf %log3A, %broadcast_in_dim3A : vector<4096x1xf32>
    %sub3A_76 = arith.subf %add3A_75, %get3A_69 : vector<4096x1xf32>
    %reduce_sum3A_77 = vector.shape_cast %sub3A_76 : vector<4096x1xf32> to vector<1x4096x1xf32>
    %reduce_sum3A_78 = arith.constant dense<0.000000e+00> : vector<1xf32>
    %reduce_sum3A_79 = vector.multi_reduction <add>, %reduce_sum3A_77, %reduce_sum3A_78 [1, 2] : vector<1x4096x1xf32> to vector<1xf32>
    %reduce_sum3A_80 = vector.shape_cast %reduce_sum3A_79 : vector<1xf32> to vector<1x1x1xf32>
    %reduce_sum3A_81 = vector.extract %reduce_sum3A_80[0, 0, 0] : f32 from vector<1x1x1xf32>
    %div3A_82 = arith.constant 4.096000e+03 : f32
    %div3A_83 = arith.divf %reduce_sum3A_81, %div3A_82 : f32
    %reshape3A = vector.broadcast %div3A_83 : f32 to vector<1x1xf32>
    %swap3A = arith.constant 0 : index
    %swap3A_84 = arith.constant 0 : index
    %swap3A_85 = vector.load %arg3[%swap3A, %swap3A_84] : memref<1x1xf32, #tpu.memory_space<vmem>>, vector<1x1xf32>
    tpu.vector_store %arg3[%swap3A, %swap3A_84], %reshape3A {strides = array<i32>} : memref<1x1xf32, #tpu.memory_space<vmem>>, vector<1x1xf32>,
    return
  }
}

</mosaic_0001>

<sc_bundles>
// kernel: kernel.6.cloned.1.call-start
scs
__scs_entry_jumppad:
0x0: {  	(pc) =	sbr.rel $0x88, $3  }
0x1: {  	(tag) =	ssettag $0x0;
	lr =	simm.s32 $0x1  }
0x2: {  	[smem:$0x3F9E] =	sst lr;
	_ =	strace $0xD0000000  }
0x3: {  	_ = 	snop  }
0x4: {  	_ = 	snop  }
0x5: {  	_ = 	snop  }
0x6: {  	_ = 	snop  }
0x7: {  	_ = 	snop  }
__scs_overlays_trampoline_lowered:
0x8: {  	[smem:$0x3FAD] =	sst s0  }
0x9: {  	[smem:$0x3FAE] =	sst s1  }
0xa: {  	[smem:$0x3FAF] =	sst s2  }
0xb: {  	[smem:$0x3FB0] =	sst s3  }
0xc: {  	[smem:$0x3FB1] =	sst s4  }
0xd: {  	[smem:$0x3FB2] =	sst s5  }
0xe: {  	[smem:$0x3FB3] =	sst s6  }
0xf: {  	[smem:$0x3FB4] =	sst s7  }
0x10: {  	[smem:$0x3FB5] =	sst s8  }
0x11: {  	[smem:$0x3FB6] =	sst s9;
	s0 =	simm.s32 @!p0 $0x0  }
0x12: {  	s1 =	sld [smem:$0x3F9C];
	s0 =	simm.s32 @p0 $0x1  }
0x13: {  	[smem:$0x3FB7] =	sst s0;
	s0 =	simm.s32 @!p1 $0x0  }
0x14: {  	s2 =	sld [smem:$0x3F9B];
	s0 =	simm.s32 @p1 $0x1  }
0x15: {  	[smem:$0x3FB8] =	sst s0;
	s0 =	simm.s32 @!p2 $0x0  }
0x16: {  	s3 =	sld [smem:$0x3FDB];
	s0 =	simm.s32 @p2 $0x1  }
0x17: {  	s4 =	simm.s32 $0x1BF5;
	[smem:$0x3FBA] =	sst s0  }
0x18: {  	s0 =	sld [smem:$0x3F9D];
	_ =	swait.ge [sflag:s4], $0x0  }
0x19: {  	s7 =	sld [smem:$0x3F9E]  }
0x1a: {  	s8 =	sadd.s32 $0xFFFFE003, lr  }
0x1b: {  	s9 =	sadd.s32 $0xFFFFFEF7, lr;
	s5 =	simm.s32 $0xFFFFFFFF;
	p2 =	slt.u32 s8, $0xFFFFF086  }
0x1c: {  	p1 =	slt.u32 s9, $0xF7A;
	s5 =	simm.s32 @!p2 $0x0  }
0x1d: {  	s5 =	simm.s32 @p1 $0x1;
	p0 =	seq.s32 s7, s2  }
0x1e: {  	s7 =	smul.u32 @!p0 $0xF7A, s2;
	p2 =	seq.s32 @!p0 s5, $0x0  }
0x1f: {  	s9 =	smul.u32 $0xF7A, s1;
	s8 =	simm.s32 @!p0 $0x1BF5;
	p2 =	por !p2, p0  }
0x20: {  	[sflag:s8] =	ssyncset.s32 @!p0 $0xFFFFF086;
	s6 =	sadd.s32 @!p0 s3, s7;
	s7 =	simm.s32 @!p0 $0x108  }
0x21: {  	s3 =	sadd.s32 s3, s9;
	s6 =	sadd.s32 @!p0 $0x88, s6;
	s7 =	simm.s32 @p2 $0x1082  }
0x22: {  	[simem:s7], [sflag:s8] =	dma.local @!p0 [hbm:s6], $0xF7A  }
0x23: {  	s9 =	sor.u32 $0xD0000000, s2;
	s6 =	simm.s32 $0x108;
	_ =	swait.ge @!p0 [sflag:s8], $0x0  }
0x24: {  	s3 =	sadd.s32 $0x88, s3;
	s6 =	simm.s32 @!p1 $0x1082;
	[sflag:s4] =	ssyncset.s32 $0xFFFFF086  }
0x25: {  	[simem:s6], [sflag:s4] =	dma.local [hbm:s3], $0xF7A  }
0x26: {  	[smem:$0x3F9E] =	sst s1;
	(tag) =	ssettag s2;
	_ =	strace s9  }
0x27: {  	s1 =	sld [smem:$0x3FAE]  }
0x28: {  	s2 =	sld [smem:$0x3FAF]  }
0x29: {  	s4 =	sld [smem:$0x3FB1]  }
0x2a: {  	p0 =	seq.s32 s5, $0x0;
	s5 =	sld [smem:$0x3FB2]  }
0x2b: {  	s6 =	sld [smem:$0x3FB3]  }
0x2c: {  	s7 =	sld [smem:$0x3FB4]  }
0x2d: {  	s3 =	simm.s32 $0x108;
	s8 =	sld [smem:$0x3FB5]  }
0x2e: {  	s3 =	simm.s32 @!p0 $0x1082;
	s9 =	sld [smem:$0x3FB6]  }
0x2f: {  	lr =	sadd.s32 s0, s3;
	s0 =	sld [smem:$0x3FAD]  }
0x30: {  	s3 =	sld [smem:$0x3FB0]  }
0x31: {  	[smem:$0x3FB9] =	sst s10  }
0x32: {  	s10 =	sld [smem:$0x3FB7];
	_ =	sdelay $0x3  }
0x33: {  	p0 =	seq.s32 s10, $0x1;
	s10 =	sld [smem:$0x3FB9];
	_ =	sdelay $0x3  }
0x34: {  	[smem:$0x3FB9] =	sst s10  }
0x35: {  	s10 =	sld [smem:$0x3FB8];
	_ =	sdelay $0x3  }
0x36: {  	p1 =	seq.s32 s10, $0x1;
	s10 =	sld [smem:$0x3FB9];
	_ =	sdelay $0x3  }
0x37: {  	[smem:$0x3FB9] =	sst s10  }
0x38: {  	s10 =	sld [smem:$0x3FBA]  }
0x39: {  	_ = 	snop;
	(pc) =	sbr.ind lr, $3  }
0x3a: {  	_ = 	snop  }
0x3b: {  	_ = 	snop  }
0x3c: {  	p2 =	seq.s32 s10, $0x1;
	s10 =	sld [smem:$0x3FB9]  }
0x3d: {  	_ =	shalt  }
0x3e: {  	_ =	shalt  }
0x3f: {  	_ =	shalt  }
0x40: {  	_ =	shalt  }
0x41: {  	_ =	shalt  }
0x42: {  	_ =	shalt  }
0x43: {  	_ =	shalt  }
0x44: {  	_ =	shalt  }
0x45: {  	_ =	shalt  }
0x46: {  	_ =	shalt  }
0x47: {  	_ =	shalt  }
0x48: {  	_ =	shalt  }
0x49: {  	_ =	shalt  }
0x4a: {  	_ =	shalt  }
0x4b: {  	_ =	shalt  }
0x4c: {  	_ =	shalt  }
0x4d: {  	_ =	shalt  }
0x4e: {  	_ =	shalt  }
0x4f: {  	_ =	shalt  }
0x50: {  	_ =	shalt  }
0x51: {  	_ =	shalt  }
0x52: {  	_ =	shalt  }
0x53: {  	_ =	shalt  }
0x54: {  	_ =	shalt  }
0x55: {  	_ =	shalt  }
0x56: {  	_ =	shalt  }
0x57: {  	_ =	shalt  }
0x58: {  	_ =	shalt  }
0x59: {  	_ =	shalt  }
0x5a: {  	_ =	shalt  }
0x5b: {  	_ =	shalt  }
0x5c: {  	_ =	shalt  }
0x5d: {  	_ =	shalt  }
0x5e: {  	_ =	shalt  }
0x5f: {  	_ =	shalt  }
0x60: {  	_ =	shalt  }
0x61: {  	_ =	shalt  }
0x62: {  	_ =	shalt  }
0x63: {  	_ =	shalt  }
0x64: {  	_ =	shalt  }
0x65: {  	_ =	shalt  }
0x66: {  	_ =	shalt  }
0x67: {  	_ =	shalt  }
0x68: {  	_ =	shalt  }
0x69: {  	_ =	shalt  }
0x6a: {  	_ =	shalt  }
0x6b: {  	_ =	shalt  }
0x6c: {  	_ =	shalt  }
0x6d: {  	_ =	shalt  }
0x6e: {  	_ =	shalt  }
0x6f: {  	_ =	shalt  }
0x70: {  	_ =	shalt  }
0x71: {  	_ =	shalt  }
0x72: {  	_ =	shalt  }
0x73: {  	_ =	shalt  }
0x74: {  	_ =	shalt  }
0x75: {  	_ =	shalt  }
0x76: {  	_ =	shalt  }
0x77: {  	_ =	shalt  }
0x78: {  	_ =	shalt  }
0x79: {  	_ =	shalt  }
0x7a: {  	_ =	shalt  }
0x7b: {  	_ =	shalt  }
0x7c: {  	_ =	shalt  }
0x7d: {  	_ =	shalt  }
0x7e: {  	_ =	shalt  }
0x7f: {  	_ =	shalt  }
0x80: {  	_ =	shalt  }
0x81: {  	_ =	shalt  }
0x82: {  	_ =	shalt  }
0x83: {  	_ =	shalt  }
0x84: {  	_ =	shalt  }
0x85: {  	_ =	shalt  }
0x86: {  	_ =	shalt  }
0x87: {  	_ =	shalt  }
.Lfunc_end0:
.L_simem_size_0:
called_computation_lowered:
.L_overlay_start_0:
0x88: {  	s2 =	sld [smem:$0x3FD9]  }
0x89: {  	s3 =	sld [smem:$0x3FFE];
	_ =	sdelay $0x1  }
0x8a: {  	s1 =	srdreg.scid  }
0x8b: {  	s0 =	sand.u32 $0x1, s1  }
0x8c: {  	s16 =	sshll.u32 s0, $0xA;
	s2 =	sadd.s32 s3, s2  }
0x8d: {  	s2 =	sadd.s32 s2, s16  }
0x8e: {  	[smem:$0x3FC5] =	sst s2  }
0x8f: {  	_ = 	snop  }
0x90: {  	(tm) =	ssettm $0x1  }
0x91: {  	s17 =	sld [smem:$0x3FFB];
	_ =	sdelay $0x3  }
0x92: {  	_ =	strace s17  }
0x93: {  	s2 =	sld [smem:$0x3FFC];
	_ =	sdelay $0x3  }
0x94: {  	_ =	strace s2  }
0x95: {  	s2 =	sld [smem:$0x3FFD];
	_ =	sdelay $0x3  }
0x96: {  	_ =	strace s2  }
0x97: {  	_ =	strace $0x8FFFFFFF  }
0x98: {  	s18 =	sld [smem:$0x3FDB];
	_ =	sdelay $0x1  }
0x99: {  	s19 =	simm.s32 $_scs_section_size  }
0x9a: {  	s4 =	simm.s32 $_size__tile_overlayer_lowered;
	s5 =	simm.s32 $_tile_overlayer_lowered  }
0x9b: {  	s22 =	simm.s32 $0x1BFF;
	s21 =	sshll.u32 s5, $0x1;
	s2 =	sadd.s32 s19, s18  }
0x9c: {  	s6 =	simm.s32 $0x0;
	s20 =	sshll.u32 s4, $0x1;
	s4 =	sadd.s32 s21, s2  }
0x9d: {  	[timem:s6], [sflag:s22] =	dma.local [hbm:s4], s20  }
0x9e: {  	_ =	swait.ge [sflag:s22], s20  }
0x9f: {  	s3 =	ssub.s32 $0x0, s20;
	[sflag:s22] =	ssyncset.done $0x0  }
0xa0: {  	[sflag:s22] =	ssyncadd.s32 s3;
	_ =	sdelay $0x1  }
0xa1: {  	s23 =	simm.s32 $0x1B8B  }
0xa2: {  	_ =	swait.ge [sflag:s23], $0x1  }
0xa3: {  	[sflag:s23] =	ssyncset.done $0x0  }
0xa4: {  	s25 =	simm.s32 $0x1B8E;
	s24 =	sld [smem:$0x3FFE];
	[sflag:s23] =	ssyncadd.s32 $0xFFFFFFFF  }
0xa5: {  	s26 =	simm.s32 $execute0_lowered;
	[smem:$0x3FD2] =	sst s25  }
0xa6: {  	s4 =	sshll.u32 s26, $0x1;
	_ =	strace $0x80000046;
	[dreg:$0x1] =	wrdreg $0xFFFFFFFF  }
0xa7: {  	s28 =	simm.s32 $_size_execute0_lowered;
	s2 =	sadd.s32 s2, s4;
	[dreg:$0x0] =	wrdreg $0x0  }
0xa8: {  	s4 =	sshll.u32 s28, $0x1;
	[dreg:$0x2] =	wrdreg s2  }
0xa9: {  	[dreg:$0x3] =	wrdreg s4  }
0xaa: {  	[dreg:$0x4] =	wrdreg $0xC0  }
0xab: {  	_ =	task [dreg:s6], $0x5FFFF  }
0xac: {  	[dreg:$0x1] =	wrdreg $0xFFFFFFFF  }
0xad: {  	[dreg:$0x0] =	wrdreg $0x60  }
0xae: {  	[dreg:$0x2] =	wrdreg s24  }
0xaf: {  	[dreg:$0x3] =	wrdreg $0x9  }
0xb0: {  	_ =	task.clear_ibuf [dreg:s6], $0x4FFFF;
	_ =	strace $0x90000046  }
0xb1: {  	s29 =	simm.s32 $0x9;
	_ =	strace $0x80000048  }
0xb2: {  	_ =	swait.ge [sflag:s29], $0x1  }
0xb3: {  	[sflag:s29] =	ssyncadd.s32 $0xFFFFFFFF  }
0xb4: {  	_ =	strace $0x90000048  }
0xb5: {  	_ =	sfence  }
0xb6: {  	s30 =	sld [smem:$0x0];
	_ =	sdelay $0x2  }
0xb7: {  	s31 =	sshll.u32 s1, $0xD;
	s1 =	sshrl.u32 s1, $0x2  }
0xb8: {  	s3 =	sand.u32 $0x4000, s31;
	s1 =	sadd.s32 s1, s30  }
0xb9: {  	s0 =	sor.u32 s3, s0;
	s1 =	sshll.u32 s1, $0x11  }
0xba: {  	s0 =	sor.u32 s1, s0  }
0xbb: {  	s0 =	sadd.s32 $0x8F2B, s0  }
0xbc: {  	[sflag:s0] =	ssyncadd.remote.s32 $0x1  }
0xbd: {  	_ =	sfence.sel $0xFFFF  }
0xbe: {  	[dreg:$0x0] =	wrdreg $0xFFFFFFFF;
	(pc) =	sbr.abs _section_cstart, $3  }
0xbf: {  	[dreg:$0x1] =	wrdreg $0xFFFFFFFF  }
0xc0: {  	_ =	task.clear_ibuf [dreg:s6], $0x2FFFF;
	_ =	strace $0x9FFFFFFF  }
0xc1: {  	(tm) =	ssettm $0x7FFFFFFF  }
tec
execute0_lowered:
.L_overlay_start_1:
0x0: {  	(tag) =	ssettag $0x1  }
0x1: {  	s1 =	srdreg.scid  }
0x2: {  	s0 =	stileid.u32;
	s6 =	sand.u32 $0x1, s1  }
0x3: {  	s8 =	rddreg [dreg:$0x0];
	s30 =	sshll.u32 s0, $0x8;
	s2 =	sshll.u32 s6, $0x7  }
0x4: {  	s7 =	simm.s32 $0x1;
	s1 =	rddreg [dreg:$0x1];
	s9 =	sor.u32 s2, s30  }
0x5: {  	s5 =	sadd.s32 $0x1000, s8;
	s2 =	simm.s32 $0x0;
	s3 =	sshrl.u32 s9, $0x3  }
0x6: {  	s10 =	ssub.s32 $0x2, s6;
	[smem:$0x7FF] =	sst s2;
	s3 =	sadd.s32 s3, s8  }
0x7: {  	_ =	strace $0x80000047;
	s4 =	sadd.s32 $0xE00, s3;
	s3 =	simm.s32 $0x2  }
0x8: {  	[tilespmem:s2], [sflag:$0x2] =	stream.linear.gather [hbm4b:s4+s2], $0x80, $0x38;
	[tilespmem:$0x1080] =	vst v63  }
0x9: {  	s6 =	simm.s32 $0x80;
	s11 =	sshrl.u32 s10, $0x1;
	_ =	swait.ge [sflag:s3], $0x80  }
0xa: {  	s9 =	sshll.u32 s9, $0x2;
	s31 =	ssub.s32 s10, s11;
	[sflag:s3] =	ssyncset.done $0x0  }
0xb: {  	s8 =	sadd.s32 s9, s8;
	s9 =	smax.u32 s31, $0x1;
	[sflag:s3] =	ssyncadd.s32 $0xFFFFFF80  }
0xc: {  	[tilespmem:s6], [sflag:$0x1] =	stream.indirect.gather [hbm4b:s5+s6], $0x20, s2, s6, $0xb8;
	[tilespmem:$0x1080] =	vst v63  }
0xd: {  	p0 =	sne.s32 s9, $0x1;
	_ =	swait.ge [sflag:s7], $0x1000  }
.Ltmp0:
0xe: {  	[sflag:s7] =	ssyncset.done $0x0;
	(pc) =	sbr.rel @!p0 .LBB2_2-.Ltmp0, $4  }
0xf: {  	s8 =	sadd.s32 $0x9000, s8;
	[sflag:s7] =	ssyncadd.s32 $0xFFFFF000  }
0x10: {  	[hbm4b:s8+s2] =	stream.linear.scatter [tilespmem:s6], [sflag:$0x2], $0x1000, $0x38;
	[tilespmem:$0x1080] =	vst v63  }
0x11: {  	_ =	swait.ge [sflag:s3], $0x1000  }
0x12: {  	s9 =	sadd.s32 $0xFFFFFFFF, s9;
	[sflag:s3] =	ssyncset.done $0x0  }
.LBB2_1:
0x13: {  	p0 =	sne.s32 s9, $0x1;
	s9 =	sadd.s32 $0xFFFFFFFF, s9;
	[sflag:s3] =	ssyncadd.s32 $0xFFFFF000  }
0x14: {  	[tilespmem:s2], [sflag:$0x2] =	stream.linear.gather [hbm4b:s4+s2], $0x80, $0x38;
	[tilespmem:$0x1080] =	vst v63  }
0x15: {  	_ =	swait.ge [sflag:s3], $0x80  }
0x16: {  	[sflag:s3] =	ssyncset.done $0x0  }
0x17: {  	[sflag:s3] =	ssyncadd.s32 $0xFFFFFF80  }
0x18: {  	[tilespmem:s6], [sflag:$0x1] =	stream.indirect.gather [hbm4b:s5+s6], $0x20, s2, s6, $0xb8;
	[tilespmem:$0x1080] =	vst v63  }
0x19: {  	_ =	swait.ge [sflag:s7], $0x1000  }
.Ltmp1:
0x1a: {  	[sflag:s7] =	ssyncset.done $0x0;
	(pc) =	sbr.rel @p0 .LBB2_1-.Ltmp1, $4  }
0x1b: {  	[sflag:s7] =	ssyncadd.s32 $0xFFFFF000  }
0x1c: {  	[hbm4b:s8+s2] =	stream.linear.scatter [tilespmem:s6], [sflag:$0x2], $0x1000, $0x38;
	[tilespmem:$0x1080] =	vst v63  }
0x1d: {  	_ =	swait.ge [sflag:s3], $0x1000  }
0x1e: {  	[sflag:s3] =	ssyncset.done $0x0  }
.LBB2_2:
0x1f: {  	[sflag:s3] =	ssyncadd.s32 $0xFFFFF000  }
0x20: {  	_ =	sfence.sel $0x180000  }
0x21: {  	[bflag:$0x0] =	sbarrier.arrive $0xFFFF  }
0x22: {  	p0 =	sne.s32 s0, $0x0;
	_ =	strace $0x90000047  }
0x23: {  	s0 =	sadd.s32 @!p0 $0x100000, s1;
	[bflag:$0x2] =	sbarrier.arrive $0xFFFF  }
0x24: {  	[sflag:s0] =	ssyncadd.tile.s32 @!p0 $0x1;
	_ =	shalt  }
.Lfunc_end2:
_tile_overlayer_lowered:
.L_overlay_start_2:
0x25: {  	(tag) =	ssettag $0x2  }
0x26: {  	s0 =	rddreg [dreg:$0x0];
	s2 =	stileid.u32  }
0x27: {  	s1 =	rddreg [dreg:$0x1];
	p0 =	sne.s32 s2, $0x0  }
0x28: {  	s3 =	rddreg [dreg:$0x2];
	[bflag:$0x3] =	sbarrier.arrive $0xFFFF;
	s2 =	simm.s32 @!p0 $0x1C02  }
0x29: {  	[timem:s3], [sflag:s2] =	dma.local @!p0 [hbm:s0], s1  }
0x2a: {  	s0 =	simm.s32 @!p0 $0x2  }
0x2b: {  	_ =	swait.ge @!p0 [sflag:s0], s1  }
0x2c: {  	s1 =	ssub.s32 @!p0 $0x0, s1;
	[sflag:s0] =	ssyncset.done @!p0 $0x0  }
0x2d: {  	[sflag:s0] =	ssyncadd.s32 @!p0 s1  }
0x2e: {  	[bflag:$0x3] =	sbarrier.arrive $0xFFFF  }
0x2f: {  	_ =	shalt  }

// kernel: kernel.9.cloned.1.call-start
scs
__scs_entry_jumppad:
0x0: {  	(pc) =	sbr.rel $0x88, $3  }
0x1: {  	(tag) =	ssettag $0x0;
	lr =	simm.s32 $0x1  }
0x2: {  	[smem:$0x3F9E] =	sst lr;
	_ =	strace $0xD0000000  }
0x3: {  	_ = 	snop  }
0x4: {  	_ = 	snop  }
0x5: {  	_ = 	snop  }
0x6: {  	_ = 	snop  }
0x7: {  	_ = 	snop  }
__scs_overlays_trampoline_lowered:
0x8: {  	[smem:$0x3FAD] =	sst s0  }
0x9: {  	[smem:$0x3FAE] =	sst s1  }
0xa: {  	[smem:$0x3FAF] =	sst s2  }
0xb: {  	[smem:$0x3FB0] =	sst s3  }
0xc: {  	[smem:$0x3FB1] =	sst s4  }
0xd: {  	[smem:$0x3FB2] =	sst s5  }
0xe: {  	[smem:$0x3FB3] =	sst s6  }
0xf: {  	[smem:$0x3FB4] =	sst s7  }
0x10: {  	[smem:$0x3FB5] =	sst s8  }
0x11: {  	[smem:$0x3FB6] =	sst s9;
	s0 =	simm.s32 @!p0 $0x0  }
0x12: {  	s1 =	sld [smem:$0x3F9C];
	s0 =	simm.s32 @p0 $0x1  }
0x13: {  	[smem:$0x3FB7] =	sst s0;
	s0 =	simm.s32 @!p1 $0x0  }
0x14: {  	s2 =	sld [smem:$0x3F9B];
	s0 =	simm.s32 @p1 $0x1  }
0x15: {  	[smem:$0x3FB8] =	sst s0;
	s0 =	simm.s32 @!p2 $0x0  }
0x16: {  	s3 =	sld [smem:$0x3FDB];
	s0 =	simm.s32 @p2 $0x1  }
0x17: {  	s4 =	simm.s32 $0x1BF5;
	[smem:$0x3FBA] =	sst s0  }
0x18: {  	s0 =	sld [smem:$0x3F9D];
	_ =	swait.ge [sflag:s4], $0x0  }
0x19: {  	s7 =	sld [smem:$0x3F9E]  }
0x1a: {  	s8 =	sadd.s32 $0xFFFFE003, lr  }
0x1b: {  	s9 =	sadd.s32 $0xFFFFFEF7, lr;
	s5 =	simm.s32 $0xFFFFFFFF;
	p2 =	slt.u32 s8, $0xFFFFF086  }
0x1c: {  	p1 =	slt.u32 s9, $0xF7A;
	s5 =	simm.s32 @!p2 $0x0  }
0x1d: {  	s5 =	simm.s32 @p1 $0x1;
	p0 =	seq.s32 s7, s2  }
0x1e: {  	s7 =	smul.u32 @!p0 $0xF7A, s2;
	p2 =	seq.s32 @!p0 s5, $0x0  }
0x1f: {  	s9 =	smul.u32 $0xF7A, s1;
	s8 =	simm.s32 @!p0 $0x1BF5;
	p2 =	por !p2, p0  }
0x20: {  	[sflag:s8] =	ssyncset.s32 @!p0 $0xFFFFF086;
	s6 =	sadd.s32 @!p0 s3, s7;
	s7 =	simm.s32 @!p0 $0x108  }
0x21: {  	s3 =	sadd.s32 s3, s9;
	s6 =	sadd.s32 @!p0 $0x88, s6;
	s7 =	simm.s32 @p2 $0x1082  }
0x22: {  	[simem:s7], [sflag:s8] =	dma.local @!p0 [hbm:s6], $0xF7A  }
0x23: {  	s9 =	sor.u32 $0xD0000000, s2;
	s6 =	simm.s32 $0x108;
	_ =	swait.ge @!p0 [sflag:s8], $0x0  }
0x24: {  	s3 =	sadd.s32 $0x88, s3;
	s6 =	simm.s32 @!p1 $0x1082;
	[sflag:s4] =	ssyncset.s32 $0xFFFFF086  }
0x25: {  	[simem:s6], [sflag:s4] =	dma.local [hbm:s3], $0xF7A  }
0x26: {  	[smem:$0x3F9E] =	sst s1;
	(tag) =	ssettag s2;
	_ =	strace s9  }
0x27: {  	s1 =	sld [smem:$0x3FAE]  }
0x28: {  	s2 =	sld [smem:$0x3FAF]  }
0x29: {  	s4 =	sld [smem:$0x3FB1]  }
0x2a: {  	p0 =	seq.s32 s5, $0x0;
	s5 =	sld [smem:$0x3FB2]  }
0x2b: {  	s6 =	sld [smem:$0x3FB3]  }
0x2c: {  	s7 =	sld [smem:$0x3FB4]  }
0x2d: {  	s3 =	simm.s32 $0x108;
	s8 =	sld [smem:$0x3FB5]  }
0x2e: {  	s3 =	simm.s32 @!p0 $0x1082;
	s9 =	sld [smem:$0x3FB6]  }
0x2f: {  	lr =	sadd.s32 s0, s3;
	s0 =	sld [smem:$0x3FAD]  }
0x30: {  	s3 =	sld [smem:$0x3FB0]  }
0x31: {  	[smem:$0x3FB9] =	sst s10  }
0x32: {  	s10 =	sld [smem:$0x3FB7];
	_ =	sdelay $0x3  }
0x33: {  	p0 =	seq.s32 s10, $0x1;
	s10 =	sld [smem:$0x3FB9];
	_ =	sdelay $0x3  }
0x34: {  	[smem:$0x3FB9] =	sst s10  }
0x35: {  	s10 =	sld [smem:$0x3FB8];
	_ =	sdelay $0x3  }
0x36: {  	p1 =	seq.s32 s10, $0x1;
	s10 =	sld [smem:$0x3FB9];
	_ =	sdelay $0x3  }
0x37: {  	[smem:$0x3FB9] =	sst s10  }
0x38: {  	s10 =	sld [smem:$0x3FBA]  }
0x39: {  	_ = 	snop;
	(pc) =	sbr.ind lr, $3  }
0x3a: {  	_ = 	snop  }
0x3b: {  	_ = 	snop  }
0x3c: {  	p2 =	seq.s32 s10, $0x1;
	s10 =	sld [smem:$0x3FB9]  }
0x3d: {  	_ =	shalt  }
0x3e: {  	_ =	shalt  }
0x3f: {  	_ =	shalt  }
0x40: {  	_ =	shalt  }
0x41: {  	_ =	shalt  }
0x42: {  	_ =	shalt  }
0x43: {  	_ =	shalt  }
0x44: {  	_ =	shalt  }
0x45: {  	_ =	shalt  }
0x46: {  	_ =	shalt  }
0x47: {  	_ =	shalt  }
0x48: {  	_ =	shalt  }
0x49: {  	_ =	shalt  }
0x4a: {  	_ =	shalt  }
0x4b: {  	_ =	shalt  }
0x4c: {  	_ =	shalt  }
0x4d: {  	_ =	shalt  }
0x4e: {  	_ =	shalt  }
0x4f: {  	_ =	shalt  }
0x50: {  	_ =	shalt  }
0x51: {  	_ =	shalt  }
0x52: {  	_ =	shalt  }
0x53: {  	_ =	shalt  }
0x54: {  	_ =	shalt  }
0x55: {  	_ =	shalt  }
0x56: {  	_ =	shalt  }
0x57: {  	_ =	shalt  }
0x58: {  	_ =	shalt  }
0x59: {  	_ =	shalt  }
0x5a: {  	_ =	shalt  }
0x5b: {  	_ =	shalt  }
0x5c: {  	_ =	shalt  }
0x5d: {  	_ =	shalt  }
0x5e: {  	_ =	shalt  }
0x5f: {  	_ =	shalt  }
0x60: {  	_ =	shalt  }
0x61: {  	_ =	shalt  }
0x62: {  	_ =	shalt  }
0x63: {  	_ =	shalt  }
0x64: {  	_ =	shalt  }
0x65: {  	_ =	shalt  }
0x66: {  	_ =	shalt  }
0x67: {  	_ =	shalt  }
0x68: {  	_ =	shalt  }
0x69: {  	_ =	shalt  }
0x6a: {  	_ =	shalt  }
0x6b: {  	_ =	shalt  }
0x6c: {  	_ =	shalt  }
0x6d: {  	_ =	shalt  }
0x6e: {  	_ =	shalt  }
0x6f: {  	_ =	shalt  }
0x70: {  	_ =	shalt  }
0x71: {  	_ =	shalt  }
0x72: {  	_ =	shalt  }
0x73: {  	_ =	shalt  }
0x74: {  	_ =	shalt  }
0x75: {  	_ =	shalt  }
0x76: {  	_ =	shalt  }
0x77: {  	_ =	shalt  }
0x78: {  	_ =	shalt  }
0x79: {  	_ =	shalt  }
0x7a: {  	_ =	shalt  }
0x7b: {  	_ =	shalt  }
0x7c: {  	_ =	shalt  }
0x7d: {  	_ =	shalt  }
0x7e: {  	_ =	shalt  }
0x7f: {  	_ =	shalt  }
0x80: {  	_ =	shalt  }
0x81: {  	_ =	shalt  }
0x82: {  	_ =	shalt  }
0x83: {  	_ =	shalt  }
0x84: {  	_ =	shalt  }
0x85: {  	_ =	shalt  }
0x86: {  	_ =	shalt  }
0x87: {  	_ =	shalt  }
.Lfunc_end0:
.L_simem_size_0:
called_computation.1_lowered:
.L_overlay_start_0:
0x88: {  	s2 =	sld [smem:$0x3FD9]  }
0x89: {  	s3 =	sld [smem:$0x3FFE];
	_ =	sdelay $0x1  }
0x8a: {  	s1 =	srdreg.scid  }
0x8b: {  	s0 =	sand.u32 $0x1, s1  }
0x8c: {  	s16 =	sshll.u32 s0, $0xA;
	s2 =	sadd.s32 s3, s2  }
0x8d: {  	s2 =	sadd.s32 s2, s16  }
0x8e: {  	[smem:$0x3FC5] =	sst s2  }
0x8f: {  	_ = 	snop  }
0x90: {  	(tm) =	ssettm $0x1  }
0x91: {  	s17 =	sld [smem:$0x3FFB];
	_ =	sdelay $0x3  }
0x92: {  	_ =	strace s17  }
0x93: {  	s2 =	sld [smem:$0x3FFC];
	_ =	sdelay $0x3  }
0x94: {  	_ =	strace s2  }
0x95: {  	s2 =	sld [smem:$0x3FFD];
	_ =	sdelay $0x3  }
0x96: {  	_ =	strace s2  }
0x97: {  	_ =	strace $0x8FFFFFFF  }
0x98: {  	s18 =	sld [smem:$0x3FDB];
	_ =	sdelay $0x1  }
0x99: {  	s19 =	simm.s32 $_scs_section_size  }
0x9a: {  	s4 =	simm.s32 $_size__tile_overlayer_lowered;
	s5 =	simm.s32 $_tile_overlayer_lowered  }
0x9b: {  	s22 =	simm.s32 $0x1BFF;
	s21 =	sshll.u32 s5, $0x1;
	s2 =	sadd.s32 s19, s18  }
0x9c: {  	s6 =	simm.s32 $0x0;
	s20 =	sshll.u32 s4, $0x1;
	s4 =	sadd.s32 s21, s2  }
0x9d: {  	[timem:s6], [sflag:s22] =	dma.local [hbm:s4], s20  }
0x9e: {  	_ =	swait.ge [sflag:s22], s20  }
0x9f: {  	s3 =	ssub.s32 $0x0, s20;
	[sflag:s22] =	ssyncset.done $0x0  }
0xa0: {  	[sflag:s22] =	ssyncadd.s32 s3;
	_ =	sdelay $0x1  }
0xa1: {  	s23 =	simm.s32 $0x1B8B  }
0xa2: {  	_ =	swait.ge [sflag:s23], $0x1  }
0xa3: {  	[sflag:s23] =	ssyncset.done $0x0  }
0xa4: {  	s25 =	simm.s32 $0x1B8E;
	s24 =	sld [smem:$0x3FFE];
	[sflag:s23] =	ssyncadd.s32 $0xFFFFFFFF  }
0xa5: {  	s26 =	simm.s32 $execute0_lowered;
	[smem:$0x3FD2] =	sst s25  }
0xa6: {  	s4 =	sshll.u32 s26, $0x1;
	_ =	strace $0x80000049;
	[dreg:$0x1] =	wrdreg $0xFFFFFFFF  }
0xa7: {  	s28 =	simm.s32 $_size_execute0_lowered;
	s2 =	sadd.s32 s2, s4;
	[dreg:$0x0] =	wrdreg $0x0  }
0xa8: {  	s4 =	sshll.u32 s28, $0x1;
	[dreg:$0x2] =	wrdreg s2  }
0xa9: {  	[dreg:$0x3] =	wrdreg s4  }
0xaa: {  	[dreg:$0x4] =	wrdreg $0xC0  }
0xab: {  	_ =	task [dreg:s6], $0x5FFFF  }
0xac: {  	[dreg:$0x1] =	wrdreg $0xFFFFFFFF  }
0xad: {  	[dreg:$0x0] =	wrdreg $0x60  }
0xae: {  	[dreg:$0x2] =	wrdreg s24  }
0xaf: {  	[dreg:$0x3] =	wrdreg $0x9  }
0xb0: {  	_ =	task.clear_ibuf [dreg:s6], $0x4FFFF;
	_ =	strace $0x90000049  }
0xb1: {  	s29 =	simm.s32 $0x9;
	_ =	strace $0x8000004B  }
0xb2: {  	_ =	swait.ge [sflag:s29], $0x1  }
0xb3: {  	[sflag:s29] =	ssyncadd.s32 $0xFFFFFFFF  }
0xb4: {  	_ =	strace $0x9000004B  }
0xb5: {  	_ =	sfence  }
0xb6: {  	s30 =	sld [smem:$0x0];
	_ =	sdelay $0x2  }
0xb7: {  	s31 =	sshll.u32 s1, $0xD;
	s1 =	sshrl.u32 s1, $0x2  }
0xb8: {  	s3 =	sand.u32 $0x4000, s31;
	s1 =	sadd.s32 s1, s30  }
0xb9: {  	s0 =	sor.u32 s3, s0;
	s1 =	sshll.u32 s1, $0x11  }
0xba: {  	s0 =	sor.u32 s1, s0  }
0xbb: {  	s0 =	sadd.s32 $0x8F2B, s0  }
0xbc: {  	[sflag:s0] =	ssyncadd.remote.s32 $0x1  }
0xbd: {  	_ =	sfence.sel $0xFFFF  }
0xbe: {  	[dreg:$0x0] =	wrdreg $0xFFFFFFFF;
	(pc) =	sbr.abs _section_cstart, $3  }
0xbf: {  	[dreg:$0x1] =	wrdreg $0xFFFFFFFF  }
0xc0: {  	_ =	task.clear_ibuf [dreg:s6], $0x2FFFF;
	_ =	strace $0x9FFFFFFF  }
0xc1: {  	(tm) =	ssettm $0x7FFFFFFF  }
tec
execute0_lowered:
.L_overlay_start_1:
0x0: {  	(tag) =	ssettag $0x1  }
0x1: {  	s1 =	srdreg.scid  }
0x2: {  	s0 =	stileid.u32;
	s4 =	rddreg [dreg:$0x0]  }
0x3: {  	s20 =	simm.s32 $0x1800;
	s21 =	simm.s32 $0x100;
	s23 =	simm.s32 $0x2800  }
0x4: {  	s24 =	simm.s32 $0x180;
	s25 =	simm.s32 $0x3800;
	s26 =	simm.s32 $0x200  }
0x5: {  	s7 =	simm.s32 $0x80;
	s11 =	simm.s32 $0x300;
	s12 =	simm.s32 $0x6800  }
0x6: {  	s13 =	simm.s32 $0x380;
	s14 =	simm.s32 $0x7800;
	s15 =	simm.s32 $0x400  }
0x7: {  	s16 =	simm.s32 $0x8800;
	s17 =	simm.s32 $0x480;
	s18 =	simm.s32 $0x9800  }
0x8: {  	s19 =	simm.s32 $0x500;
	p0 =	por $0x0, $0x0;
	s28 =	simm.s32 $0x700  }
0x9: {  	s29 =	simm.s32 $0xE800;
	s30 =	simm.s32 $0x780;
	s1 =	sand.u32 $0x1, s1  }
0xa: {  	s31 =	simm.s32 $0xF800;
	s2 =	sshll.u32 s0, $0xC;
	s3 =	sshll.u32 s1, $0xB  }
0xb: {  	s1 =	ssub.s32 $0x2, s1;
	s3 =	sor.u32 s3, s2;
	s2 =	simm.s32 $0x0  }
0xc: {  	s6 =	sadd.s32 $0x1000, s4;
	s22 =	sshrl.u32 s1, $0x1;
	[smem:$0x7FF] =	sst s2  }
0xd: {  	s5 =	sshrl.u32 s3, $0x3;
	_ =	strace $0x8000004A;
	[dreg:$0x4] =	wrdreg s20  }
0xe: {  	s3 =	sshll.u32 s3, $0x2;
	s1 =	ssub.s32 s1, s22;
	[dreg:$0x5] =	wrdreg s21  }
0xf: {  	s22 =	simm.s32 $0xB800;
	s5 =	sadd.s32 s5, s4;
	[dreg:$0x6] =	wrdreg s23  }
0x10: {  	s3 =	sadd.s32 s3, s4;
	s1 =	smax.u32 s1, $0x1;
	[dreg:$0x7] =	wrdreg s24  }
0x11: {  	[dreg:$0x8] =	wrdreg s25;
	s4 =	simm.s32 $0x800;
	p1 =	sne.s32 s1, $0x1  }
.Ltmp0:
0x12: {  	[dreg:$0x9] =	wrdreg s26;
	s20 =	simm.s32 $0xA800;
	(pc) =	sbr.rel @!p1 .LBB2_3-.Ltmp0, $4  }
0x13: {  	s21 =	simm.s32 $0x580;
	s23 =	simm.s32 $0x600;
	s24 =	simm.s32 $0xC800  }
0x14: {  	s25 =	simm.s32 $0x680;
	s26 =	simm.s32 $0xD800;
	s5 =	sadd.s32 $0x9000, s5  }
0x15: {  	s3 =	sadd.s32 $0xB000, s3;
	s8 =	sadd.s32 $0xFFFFFFFF, s1;
	[dreg:$0x2] =	wrdreg s5  }
0x16: {  	[dreg:$0x3] =	wrdreg s3;
	s3 =	simm.s32 $0x2;
	s5 =	simm.s32 $0x1  }
0x17: {  	s0 =	rddreg [dreg:$0x2]  }
0x18: {  	[tilespmem:s2], [sflag:$0x2] =	stream.linear.gather [hbm4b:s0+s2], $0x800, $0x38;
	[tilespmem:$0x10800] =	vst v63  }
0x19: {  	_ =	swait.ge [sflag:s3], $0x800  }
0x1a: {  	s10 =	rddreg [dreg:$0x5]  }
0x1b: {  	s1 =	rddreg [dreg:$0x4]  }
0x1c: {  	s0 =	rddreg [dreg:$0x6]  }
0x1d: {  	[sflag:s3] =	ssyncset.done $0x0;
	[dreg:$0xa] =	wrdreg s10  }
0x1e: {  	[sflag:s3] =	ssyncadd.s32 $0xFFFFF800;
	s10 =	rddreg [dreg:$0x8]  }
0x1f: {  	[tilespmem:s4], [sflag:$0x1] =	stream.indirect.gather [hbm4b:s6+s7], $0x20, s2, s7, $0xb8;
	[tilespmem:$0x10800] =	vst v63  }
0x20: {  	[dreg:$0xb] =	wrdreg s10  }
0x21: {  	s10 =	rddreg [dreg:$0xa]  }
0x22: {  	[tilespmem:s1], [sflag:$0x1] =	stream.indirect.gather [hbm4b:s6+s7], $0x20, s7, s7, $0xb8;
	[tilespmem:$0x10800] =	vst v63  }
0x23: {  	s1 =	rddreg [dreg:$0x7]  }
0x24: {  	[tilespmem:s0], [sflag:$0x1] =	stream.indirect.gather [hbm4b:s6+s7], $0x20, s10, s7, $0xb8;
	[tilespmem:$0x10800] =	vst v63  }
0x25: {  	s10 =	rddreg [dreg:$0xb]  }
0x26: {  	[tilespmem:s10], [sflag:$0x1] =	stream.indirect.gather [hbm4b:s6+s7], $0x20, s1, s7, $0xb8;
	[tilespmem:$0x10800] =	vst v63  }
0x27: {  	s9 =	simm.s32 $0x4800;
	s0 =	rddreg [dreg:$0x9]  }
0x28: {  	[tilespmem:s9], [sflag:$0x1] =	stream.indirect.gather [hbm4b:s6+s7], $0x20, s0, s7, $0xb8;
	[tilespmem:$0x10800] =	vst v63  }
0x29: {  	s1 =	simm.s32 $0x280;
	s9 =	simm.s32 $0x5800  }
0x2a: {  	[tilespmem:s9], [sflag:$0x1] =	stream.indirect.gather [hbm4b:s6+s7], $0x20, s1, s7, $0xb8;
	[tilespmem:$0x10800] =	vst v63  }
0x2b: {  	_ = 	snop  }
0x2c: {  	[tilespmem:s12], [sflag:$0x1] =	stream.indirect.gather [hbm4b:s6+s7], $0x20, s11, s7, $0xb8;
	[tilespmem:$0x10800] =	vst v63  }
0x2d: {  	_ = 	snop  }
0x2e: {  	[tilespmem:s14], [sflag:$0x1] =	stream.indirect.gather [hbm4b:s6+s7], $0x20, s13, s7, $0xb8;
	[tilespmem:$0x10800] =	vst v63  }
0x2f: {  	_ = 	snop  }
0x30: {  	[tilespmem:s16], [sflag:$0x1] =	stream.indirect.gather [hbm4b:s6+s7], $0x20, s15, s7, $0xb8;
	[tilespmem:$0x10800] =	vst v63  }
0x31: {  	_ = 	snop  }
0x32: {  	[tilespmem:s18], [sflag:$0x1] =	stream.indirect.gather [hbm4b:s6+s7], $0x20, s17, s7, $0xb8;
	[tilespmem:$0x10800] =	vst v63  }
0x33: {  	_ = 	snop  }
0x34: {  	[tilespmem:s20], [sflag:$0x1] =	stream.indirect.gather [hbm4b:s6+s7], $0x20, s19, s7, $0xb8;
	[tilespmem:$0x10800] =	vst v63  }
0x35: {  	_ = 	snop  }
0x36: {  	[tilespmem:s22], [sflag:$0x1] =	stream.indirect.gather [hbm4b:s6+s7], $0x20, s21, s7, $0xb8;
	[tilespmem:$0x10800] =	vst v63  }
0x37: {  	_ = 	snop  }
0x38: {  	[tilespmem:s24], [sflag:$0x1] =	stream.indirect.gather [hbm4b:s6+s7], $0x20, s23, s7, $0xb8;
	[tilespmem:$0x10800] =	vst v63  }
0x39: {  	_ = 	snop  }
0x3a: {  	[tilespmem:s26], [sflag:$0x1] =	stream.indirect.gather [hbm4b:s6+s7], $0x20, s25, s7, $0xb8;
	[tilespmem:$0x10800] =	vst v63  }
0x3b: {  	_ = 	snop  }
0x3c: {  	[tilespmem:s29], [sflag:$0x1] =	stream.indirect.gather [hbm4b:s6+s7], $0x20, s28, s7, $0xb8;
	[tilespmem:$0x10800] =	vst v63  }
0x3d: {  	_ = 	snop  }
0x3e: {  	[tilespmem:s31], [sflag:$0x1] =	stream.indirect.gather [hbm4b:s6+s7], $0x20, s30, s7, $0xb8;
	[tilespmem:$0x10800] =	vst v63  }
0x3f: {  	_ =	swait.ge [sflag:s5], $0x1000  }
0x40: {  	[sflag:s5] =	ssyncset.done $0x0  }
0x41: {  	[sflag:s5] =	ssyncadd.s32 $0xFFFFF000  }
0x42: {  	_ =	swait.ge [sflag:s5], $0x1000  }
0x43: {  	[sflag:s5] =	ssyncset.done $0x0  }
0x44: {  	[sflag:s5] =	ssyncadd.s32 $0xFFFFF000  }
0x45: {  	_ =	swait.ge [sflag:s5], $0x1000  }
0x46: {  	[sflag:s5] =	ssyncset.done $0x0  }
0x47: {  	[sflag:s5] =	ssyncadd.s32 $0xFFFFF000  }
0x48: {  	_ =	swait.ge [sflag:s5], $0x1000  }
0x49: {  	[sflag:s5] =	ssyncset.done $0x0  }
0x4a: {  	[sflag:s5] =	ssyncadd.s32 $0xFFFFF000  }
0x4b: {  	_ =	swait.ge [sflag:s5], $0x1000  }
0x4c: {  	[sflag:s5] =	ssyncset.done $0x0  }
0x4d: {  	[sflag:s5] =	ssyncadd.s32 $0xFFFFF000  }
0x4e: {  	_ =	swait.ge [sflag:s5], $0x1000  }
0x4f: {  	[sflag:s5] =	ssyncset.done $0x0  }
0x50: {  	[sflag:s5] =	ssyncadd.s32 $0xFFFFF000  }
0x51: {  	_ =	swait.ge [sflag:s5], $0x1000  }
0x52: {  	[sflag:s5] =	ssyncset.done $0x0  }
0x53: {  	[sflag:s5] =	ssyncadd.s32 $0xFFFFF000  }
0x54: {  	_ =	swait.ge [sflag:s5], $0x1000  }
0x55: {  	[sflag:s5] =	ssyncset.done $0x0  }
0x56: {  	[sflag:s5] =	ssyncadd.s32 $0xFFFFF000  }
0x57: {  	_ =	swait.ge [sflag:s5], $0x1000  }
0x58: {  	[sflag:s5] =	ssyncset.done $0x0  }
0x59: {  	[sflag:s5] =	ssyncadd.s32 $0xFFFFF000  }
0x5a: {  	_ =	swait.ge [sflag:s5], $0x1000  }
0x5b: {  	[sflag:s5] =	ssyncset.done $0x0  }
0x5c: {  	[sflag:s5] =	ssyncadd.s32 $0xFFFFF000  }
0x5d: {  	_ =	swait.ge [sflag:s5], $0x1000  }
0x5e: {  	[sflag:s5] =	ssyncset.done $0x0  }
0x5f: {  	[sflag:s5] =	ssyncadd.s32 $0xFFFFF000  }
0x60: {  	_ =	swait.ge [sflag:s5], $0x1000  }
0x61: {  	[sflag:s5] =	ssyncset.done $0x0  }
0x62: {  	[sflag:s5] =	ssyncadd.s32 $0xFFFFF000  }
0x63: {  	_ =	swait.ge [sflag:s5], $0x1000  }
0x64: {  	[sflag:s5] =	ssyncset.done $0x0  }
0x65: {  	[sflag:s5] =	ssyncadd.s32 $0xFFFFF000  }
0x66: {  	_ =	swait.ge [sflag:s5], $0x1000  }
0x67: {  	[sflag:s5] =	ssyncset.done $0x0  }
0x68: {  	[sflag:s5] =	ssyncadd.s32 $0xFFFFF000  }
0x69: {  	_ =	swait.ge [sflag:s5], $0x1000  }
0x6a: {  	p1 =	sne.s32 s8, $0x1;
	[sflag:s5] =	ssyncset.done $0x0  }
.Ltmp1:
0x6b: {  	[sflag:s5] =	ssyncadd.s32 $0xFFFFF000;
	(pc) =	sbr.rel @!p1 .LBB2_3-.Ltmp1, $4  }
0x6c: {  	_ =	swait.ge [sflag:s5], $0x1000  }
0x6d: {  	p0 =	por $0x1, $0x1;
	[sflag:s5] =	ssyncset.done $0x0  }
0x6e: {  	s1 =	sadd.s32 $0xFFFFFFFF, s8;
	s10 =	rddreg [dreg:$0x3];
	[sflag:s5] =	ssyncadd.s32 $0xFFFFF000  }
0x6f: {  	[hbm4b:s10+s2] =	stream.linear.scatter [tilespmem:s4], [sflag:$0x2], $0x10000, $0x38;
	[tilespmem:$0x10800] =	vst v63  }
.LBB2_2:
0x70: {  	_ =	swait.ge [sflag:s3], $0x10000  }
0x71: {  	[sflag:s3] =	ssyncset.done $0x0  }
0x72: {  	s0 =	rddreg [dreg:$0x2];
	[sflag:s3] =	ssyncadd.s32 $0xFFFF0000  }
0x73: {  	[tilespmem:s2], [sflag:$0x2] =	stream.linear.gather [hbm4b:s0+s2], $0x800, $0x38;
	[tilespmem:$0x10800] =	vst v63  }
0x74: {  	_ =	swait.ge [sflag:s3], $0x800  }
0x75: {  	s0 =	rddreg [dreg:$0x5];
	[sflag:s3] =	ssyncset.done $0x0  }
0x76: {  	s8 =	rddreg [dreg:$0x4];
	[sflag:s3] =	ssyncadd.s32 $0xFFFFF800  }
0x77: {  	[tilespmem:s4], [sflag:$0x1] =	stream.indirect.gather [hbm4b:s6+s7], $0x20, s2, s7, $0xb8;
	[tilespmem:$0x10800] =	vst v63  }
0x78: {  	s9 =	rddreg [dreg:$0x6]  }
0x79: {  	[tilespmem:s8], [sflag:$0x1] =	stream.indirect.gather [hbm4b:s6+s7], $0x20, s7, s7, $0xb8;
	[tilespmem:$0x10800] =	vst v63  }
0x7a: {  	s10 =	rddreg [dreg:$0x8]  }
0x7b: {  	[tilespmem:s9], [sflag:$0x1] =	stream.indirect.gather [hbm4b:s6+s7], $0x20, s0, s7, $0xb8;
	[tilespmem:$0x10800] =	vst v63  }
0x7c: {  	s8 =	rddreg [dreg:$0x7]  }
0x7d: {  	[tilespmem:s10], [sflag:$0x1] =	stream.indirect.gather [hbm4b:s6+s7], $0x20, s8, s7, $0xb8;
	[tilespmem:$0x10800] =	vst v63  }
0x7e: {  	s0 =	rddreg [dreg:$0x9];
	s8 =	simm.s32 $0x4800  }
0x7f: {  	[tilespmem:s8], [sflag:$0x1] =	stream.indirect.gather [hbm4b:s6+s7], $0x20, s0, s7, $0xb8;
	[tilespmem:$0x10800] =	vst v63  }
0x80: {  	s9 =	simm.s32 $0x280;
	s10 =	simm.s32 $0x5800  }
0x81: {  	[tilespmem:s10], [sflag:$0x1] =	stream.indirect.gather [hbm4b:s6+s7], $0x20, s9, s7, $0xb8;
	[tilespmem:$0x10800] =	vst v63  }
0x82: {  	_ = 	snop  }
0x83: {  	[tilespmem:s12], [sflag:$0x1] =	stream.indirect.gather [hbm4b:s6+s7], $0x20, s11, s7, $0xb8;
	[tilespmem:$0x10800] =	vst v63  }
0x84: {  	_ = 	snop  }
0x85: {  	[tilespmem:s14], [sflag:$0x1] =	stream.indirect.gather [hbm4b:s6+s7], $0x20, s13, s7, $0xb8;
	[tilespmem:$0x10800] =	vst v63  }
0x86: {  	_ = 	snop  }
0x87: {  	[tilespmem:s16], [sflag:$0x1] =	stream.indirect.gather [hbm4b:s6+s7], $0x20, s15, s7, $0xb8;
	[tilespmem:$0x10800] =	vst v63  }
0x88: {  	_ = 	snop  }
0x89: {  	[tilespmem:s18], [sflag:$0x1] =	stream.indirect.gather [hbm4b:s6+s7], $0x20, s17, s7, $0xb8;
	[tilespmem:$0x10800] =	vst v63  }
0x8a: {  	_ = 	snop  }
0x8b: {  	[tilespmem:s20], [sflag:$0x1] =	stream.indirect.gather [hbm4b:s6+s7], $0x20, s19, s7, $0xb8;
	[tilespmem:$0x10800] =	vst v63  }
0x8c: {  	_ = 	snop  }
0x8d: {  	[tilespmem:s22], [sflag:$0x1] =	stream.indirect.gather [hbm4b:s6+s7], $0x20, s21, s7, $0xb8;
	[tilespmem:$0x10800] =	vst v63  }
0x8e: {  	_ = 	snop  }
0x8f: {  	[tilespmem:s24], [sflag:$0x1] =	stream.indirect.gather [hbm4b:s6+s7], $0x20, s23, s7, $0xb8;
	[tilespmem:$0x10800] =	vst v63  }
0x90: {  	_ = 	snop  }
0x91: {  	[tilespmem:s26], [sflag:$0x1] =	stream.indirect.gather [hbm4b:s6+s7], $0x20, s25, s7, $0xb8;
	[tilespmem:$0x10800] =	vst v63  }
0x92: {  	_ = 	snop  }
0x93: {  	[tilespmem:s29], [sflag:$0x1] =	stream.indirect.gather [hbm4b:s6+s7], $0x20, s28, s7, $0xb8;
	[tilespmem:$0x10800] =	vst v63  }
0x94: {  	_ = 	snop  }
0x95: {  	[tilespmem:s31], [sflag:$0x1] =	stream.indirect.gather [hbm4b:s6+s7], $0x20, s30, s7, $0xb8;
	[tilespmem:$0x10800] =	vst v63  }
0x96: {  	_ =	swait.ge [sflag:s5], $0x1000  }
0x97: {  	[sflag:s5] =	ssyncset.done $0x0  }
0x98: {  	[sflag:s5] =	ssyncadd.s32 $0xFFFFF000  }
0x99: {  	_ =	swait.ge [sflag:s5], $0x1000  }
0x9a: {  	[sflag:s5] =	ssyncset.done $0x0  }
0x9b: {  	[sflag:s5] =	ssyncadd.s32 $0xFFFFF000  }
0x9c: {  	_ =	swait.ge [sflag:s5], $0x1000  }
0x9d: {  	[sflag:s5] =	ssyncset.done $0x0  }
0x9e: {  	[sflag:s5] =	ssyncadd.s32 $0xFFFFF000  }
0x9f: {  	_ =	swait.ge [sflag:s5], $0x1000  }
0xa0: {  	[sflag:s5] =	ssyncset.done $0x0  }
0xa1: {  	[sflag:s5] =	ssyncadd.s32 $0xFFFFF000  }
0xa2: {  	_ =	swait.ge [sflag:s5], $0x1000  }
0xa3: {  	[sflag:s5] =	ssyncset.done $0x0  }
0xa4: {  	[sflag:s5] =	ssyncadd.s32 $0xFFFFF000  }
0xa5: {  	_ =	swait.ge [sflag:s5], $0x1000  }
0xa6: {  	[sflag:s5] =	ssyncset.done $0x0  }
0xa7: {  	[sflag:s5] =	ssyncadd.s32 $0xFFFFF000  }
0xa8: {  	_ =	swait.ge [sflag:s5], $0x1000  }
0xa9: {  	[sflag:s5] =	ssyncset.done $0x0  }
0xaa: {  	[sflag:s5] =	ssyncadd.s32 $0xFFFFF000  }
0xab: {  	_ =	swait.ge [sflag:s5], $0x1000  }
0xac: {  	[sflag:s5] =	ssyncset.done $0x0  }
0xad: {  	[sflag:s5] =	ssyncadd.s32 $0xFFFFF000  }
0xae: {  	_ =	swait.ge [sflag:s5], $0x1000  }
0xaf: {  	[sflag:s5] =	ssyncset.done $0x0  }
0xb0: {  	[sflag:s5] =	ssyncadd.s32 $0xFFFFF000  }
0xb1: {  	_ =	swait.ge [sflag:s5], $0x1000  }
0xb2: {  	[sflag:s5] =	ssyncset.done $0x0  }
0xb3: {  	[sflag:s5] =	ssyncadd.s32 $0xFFFFF000  }
0xb4: {  	_ =	swait.ge [sflag:s5], $0x1000  }
0xb5: {  	[sflag:s5] =	ssyncset.done $0x0  }
0xb6: {  	[sflag:s5] =	ssyncadd.s32 $0xFFFFF000  }
0xb7: {  	_ =	swait.ge [sflag:s5], $0x1000  }
0xb8: {  	[sflag:s5] =	ssyncset.done $0x0  }
0xb9: {  	[sflag:s5] =	ssyncadd.s32 $0xFFFFF000  }
0xba: {  	_ =	swait.ge [sflag:s5], $0x1000  }
0xbb: {  	[sflag:s5] =	ssyncset.done $0x0  }
0xbc: {  	[sflag:s5] =	ssyncadd.s32 $0xFFFFF000  }
0xbd: {  	_ =	swait.ge [sflag:s5], $0x1000  }
0xbe: {  	[sflag:s5] =	ssyncset.done $0x0  }
0xbf: {  	[sflag:s5] =	ssyncadd.s32 $0xFFFFF000  }
0xc0: {  	_ =	swait.ge [sflag:s5], $0x1000  }
0xc1: {  	p1 =	sne.s32 s1, $0x1;
	[sflag:s5] =	ssyncset.done $0x0  }
.Ltmp2:
0xc2: {  	[sflag:s5] =	ssyncadd.s32 $0xFFFFF000;
	(pc) =	sbr.rel @p1 .LBB2_2-.Ltmp2, $4  }
0xc3: {  	_ =	swait.ge [sflag:s5], $0x1000  }
0xc4: {  	[sflag:s5] =	ssyncset.done $0x0  }
0xc5: {  	s1 =	sadd.s32 $0xFFFFFFFF, s1;
	s10 =	rddreg [dreg:$0x3];
	[sflag:s5] =	ssyncadd.s32 $0xFFFFF000  }
0xc6: {  	[hbm4b:s10+s2] =	stream.linear.scatter [tilespmem:s4], [sflag:$0x2], $0x10000, $0x38;
	[tilespmem:$0x10800] =	vst v63  }
.LBB2_3:
0xc7: {  	_ =	swait.ge @p0 [sflag:s3], $0x10000  }
0xc8: {  	[sflag:s3] =	ssyncset.done @p0 $0x0  }
0xc9: {  	s0 =	rddreg [dreg:$0x2];
	[sflag:s3] =	ssyncadd.s32 @p0 $0xFFFF0000  }
0xca: {  	[tilespmem:s2], [sflag:$0x2] =	stream.linear.gather [hbm4b:s0+s2], $0x800, $0x38;
	[tilespmem:$0x10800] =	vst v63  }
0xcb: {  	_ =	swait.ge [sflag:s3], $0x800  }
0xcc: {  	[sflag:s3] =	ssyncset.done $0x0;
	s10 =	rddreg [dreg:$0x4]  }
0xcd: {  	s0 =	rddreg [dreg:$0x5];
	[sflag:s3] =	ssyncadd.s32 $0xFFFFF800  }
0xce: {  	[tilespmem:s4], [sflag:$0x1] =	stream.indirect.gather [hbm4b:s6+s7], $0x20, s2, s7, $0xb8;
	[tilespmem:$0x10800] =	vst v63  }
0xcf: {  	s1 =	rddreg [dreg:$0x6]  }
0xd0: {  	[tilespmem:s10], [sflag:$0x1] =	stream.indirect.gather [hbm4b:s6+s7], $0x20, s7, s7, $0xb8;
	[tilespmem:$0x10800] =	vst v63  }
0xd1: {  	s8 =	rddreg [dreg:$0x8]  }
0xd2: {  	[tilespmem:s1], [sflag:$0x1] =	stream.indirect.gather [hbm4b:s6+s7], $0x20, s0, s7, $0xb8;
	[tilespmem:$0x10800] =	vst v63  }
0xd3: {  	s9 =	rddreg [dreg:$0x7]  }
0xd4: {  	[tilespmem:s8], [sflag:$0x1] =	stream.indirect.gather [hbm4b:s6+s7], $0x20, s9, s7, $0xb8;
	[tilespmem:$0x10800] =	vst v63  }
0xd5: {  	s10 =	simm.s32 $0x4800;
	s1 =	rddreg [dreg:$0x9]  }
0xd6: {  	[tilespmem:s10], [sflag:$0x1] =	stream.indirect.gather [hbm4b:s6+s7], $0x20, s1, s7, $0xb8;
	[tilespmem:$0x10800] =	vst v63  }
0xd7: {  	s9 =	simm.s32 $0x5800;
	s10 =	simm.s32 $0x280  }
0xd8: {  	[tilespmem:s9], [sflag:$0x1] =	stream.indirect.gather [hbm4b:s6+s7], $0x20, s10, s7, $0xb8;
	[tilespmem:$0x10800] =	vst v63  }
0xd9: {  	_ = 	snop  }
0xda: {  	[tilespmem:s12], [sflag:$0x1] =	stream.indirect.gather [hbm4b:s6+s7], $0x20, s11, s7, $0xb8;
	[tilespmem:$0x10800] =	vst v63  }
0xdb: {  	_ = 	snop  }
0xdc: {  	[tilespmem:s14], [sflag:$0x1] =	stream.indirect.gather [hbm4b:s6+s7], $0x20, s13, s7, $0xb8;
	[tilespmem:$0x10800] =	vst v63  }
0xdd: {  	_ = 	snop  }
0xde: {  	[tilespmem:s16], [sflag:$0x1] =	stream.indirect.gather [hbm4b:s6+s7], $0x20, s15, s7, $0xb8;
	[tilespmem:$0x10800] =	vst v63  }
0xdf: {  	_ = 	snop  }
0xe0: {  	[tilespmem:s18], [sflag:$0x1] =	stream.indirect.gather [hbm4b:s6+s7], $0x20, s17, s7, $0xb8;
	[tilespmem:$0x10800] =	vst v63  }
0xe1: {  	_ = 	snop  }
0xe2: {  	[tilespmem:s20], [sflag:$0x1] =	stream.indirect.gather [hbm4b:s6+s7], $0x20, s19, s7, $0xb8;
	[tilespmem:$0x10800] =	vst v63  }
0xe3: {  	_ = 	snop  }
0xe4: {  	[tilespmem:s22], [sflag:$0x1] =	stream.indirect.gather [hbm4b:s6+s7], $0x20, s21, s7, $0xb8;
	[tilespmem:$0x10800] =	vst v63  }
0xe5: {  	_ = 	snop  }
0xe6: {  	[tilespmem:s24], [sflag:$0x1] =	stream.indirect.gather [hbm4b:s6+s7], $0x20, s23, s7, $0xb8;
	[tilespmem:$0x10800] =	vst v63  }
0xe7: {  	_ = 	snop  }
0xe8: {  	[tilespmem:s26], [sflag:$0x1] =	stream.indirect.gather [hbm4b:s6+s7], $0x20, s25, s7, $0xb8;
	[tilespmem:$0x10800] =	vst v63  }
0xe9: {  	_ = 	snop  }
0xea: {  	[tilespmem:s29], [sflag:$0x1] =	stream.indirect.gather [hbm4b:s6+s7], $0x20, s28, s7, $0xb8;
	[tilespmem:$0x10800] =	vst v63  }
0xeb: {  	_ = 	snop  }
0xec: {  	[tilespmem:s31], [sflag:$0x1] =	stream.indirect.gather [hbm4b:s6+s7], $0x20, s30, s7, $0xb8;
	[tilespmem:$0x10800] =	vst v63  }
0xed: {  	_ =	swait.ge [sflag:s5], $0x1000  }
0xee: {  	[sflag:s5] =	ssyncset.done $0x0  }
0xef: {  	[sflag:s5] =	ssyncadd.s32 $0xFFFFF000  }
0xf0: {  	_ =	swait.ge [sflag:s5], $0x1000  }
0xf1: {  	[sflag:s5] =	ssyncset.done $0x0  }
0xf2: {  	[sflag:s5] =	ssyncadd.s32 $0xFFFFF000  }
0xf3: {  	_ =	swait.ge [sflag:s5], $0x1000  }
0xf4: {  	[sflag:s5] =	ssyncset.done $0x0  }
0xf5: {  	[sflag:s5] =	ssyncadd.s32 $0xFFFFF000  }
0xf6: {  	_ =	swait.ge [sflag:s5], $0x1000  }
0xf7: {  	[sflag:s5] =	ssyncset.done $0x0  }
0xf8: {  	[sflag:s5] =	ssyncadd.s32 $0xFFFFF000  }
0xf9: {  	_ =	swait.ge [sflag:s5], $0x1000  }
0xfa: {  	[sflag:s5] =	ssyncset.done $0x0  }
0xfb: {  	[sflag:s5] =	ssyncadd.s32 $0xFFFFF000  }
0xfc: {  	_ =	swait.ge [sflag:s5], $0x1000  }
0xfd: {  	[sflag:s5] =	ssyncset.done $0x0  }
0xfe: {  	[sflag:s5] =	ssyncadd.s32 $0xFFFFF000  }
0xff: {  	_ =	swait.ge [sflag:s5], $0x1000  }
0x100: {  	[sflag:s5] =	ssyncset.done $0x0  }
0x101: {  	[sflag:s5] =	ssyncadd.s32 $0xFFFFF000  }
0x102: {  	_ =	swait.ge [sflag:s5], $0x1000  }
0x103: {  	[sflag:s5] =	ssyncset.done $0x0  }
0x104: {  	[sflag:s5] =	ssyncadd.s32 $0xFFFFF000  }
0x105: {  	_ =	swait.ge [sflag:s5], $0x1000  }
0x106: {  	[sflag:s5] =	ssyncset.done $0x0  }
0x107: {  	[sflag:s5] =	ssyncadd.s32 $0xFFFFF000  }
0x108: {  	_ =	swait.ge [sflag:s5], $0x1000  }
0x109: {  	[sflag:s5] =	ssyncset.done $0x0  }
0x10a: {  	[sflag:s5] =	ssyncadd.s32 $0xFFFFF000  }
0x10b: {  	_ =	swait.ge [sflag:s5], $0x1000  }
0x10c: {  	[sflag:s5] =	ssyncset.done $0x0  }
0x10d: {  	[sflag:s5] =	ssyncadd.s32 $0xFFFFF000  }
0x10e: {  	_ =	swait.ge [sflag:s5], $0x1000  }
0x10f: {  	[sflag:s5] =	ssyncset.done $0x0  }
0x110: {  	[sflag:s5] =	ssyncadd.s32 $0xFFFFF000  }
0x111: {  	_ =	swait.ge [sflag:s5], $0x1000  }
0x112: {  	[sflag:s5] =	ssyncset.done $0x0  }
0x113: {  	[sflag:s5] =	ssyncadd.s32 $0xFFFFF000  }
0x114: {  	_ =	swait.ge [sflag:s5], $0x1000  }
0x115: {  	[sflag:s5] =	ssyncset.done $0x0  }
0x116: {  	[sflag:s5] =	ssyncadd.s32 $0xFFFFF000  }
0x117: {  	_ =	swait.ge [sflag:s5], $0x1000  }
0x118: {  	[sflag:s5] =	ssyncset.done $0x0  }
0x119: {  	[sflag:s5] =	ssyncadd.s32 $0xFFFFF000  }
0x11a: {  	_ =	swait.ge [sflag:s5], $0x1000  }
0x11b: {  	[sflag:s5] =	ssyncset.done $0x0  }
0x11c: {  	s30 =	rddreg [dreg:$0x3];
	[sflag:s5] =	ssyncadd.s32 $0xFFFFF000  }
0x11d: {  	[hbm4b:s30+s2] =	stream.linear.scatter [tilespmem:s4], [sflag:$0x2], $0x10000, $0x38;
	[tilespmem:$0x10800] =	vst v63  }
0x11e: {  	_ =	swait.ge [sflag:s3], $0x10000  }
0x11f: {  	[sflag:s3] =	ssyncset.done $0x0  }
0x120: {  	[sflag:s3] =	ssyncadd.s32 $0xFFFF0000  }
0x121: {  	_ =	sfence.sel $0x180000  }
0x122: {  	[bflag:$0x0] =	sbarrier.arrive $0xFFFF  }
0x123: {  	_ =	strace $0x9000004A  }
0x124: {  	s31 =	stileid.u32;
	[bflag:$0x2] =	sbarrier.arrive $0xFFFF  }
0x125: {  	p0 =	sne.s32 s31, $0x0;
	s0 =	rddreg [dreg:$0x1]  }
0x126: {  	s0 =	sadd.s32 @!p0 $0x100000, s0  }
0x127: {  	[sflag:s0] =	ssyncadd.tile.s32 @!p0 $0x1;
	_ =	shalt  }
.Lfunc_end2:
_tile_overlayer_lowered:
.L_overlay_start_2:
0x128: {  	(tag) =	ssettag $0x2  }
0x129: {  	s0 =	rddreg [dreg:$0x0];
	s2 =	stileid.u32  }
0x12a: {  	s1 =	rddreg [dreg:$0x1];
	p0 =	sne.s32 s2, $0x0  }
0x12b: {  	s3 =	rddreg [dreg:$0x2];
	[bflag:$0x3] =	sbarrier.arrive $0xFFFF;
	s2 =	simm.s32 @!p0 $0x1C02  }
0x12c: {  	[timem:s3], [sflag:s2] =	dma.local @!p0 [hbm:s0], s1  }
0x12d: {  	s0 =	simm.s32 @!p0 $0x2  }
0x12e: {  	_ =	swait.ge @!p0 [sflag:s0], s1  }
0x12f: {  	s1 =	ssub.s32 @!p0 $0x0, s1;
	[sflag:s0] =	ssyncset.done @!p0 $0x0  }
0x130: {  	[sflag:s0] =	ssyncadd.s32 @!p0 s1  }
0x131: {  	[bflag:$0x3] =	sbarrier.arrive $0xFFFF  }
0x132: {  	_ =	shalt  }

</sc_bundles>
